<compile_context>
chip_gen: v7x
topology: tpu7x:2x2x1
jax: 0.10.2.dev20260603
libtpu: 0.0.44.dev20260713+nightly
codegen_flags: <defaults>
</compile_context>

<pallas_src>
import functools

import jax
import jax.numpy as jnp
from jax import lax
from jax.experimental import pallas as pl
from jax.experimental.pallas import tpu as pltpu
from jax.experimental.pallas import tpu_sc as plsc

N = 10000
D = 128
E = 320000
NG = 64
NCLS = 10

NC = 2
NS = 16
CHUNK = 128
CPW = 80
GB = 2
E_PAD = NC * NS * CPW * CHUNK
AGG_ROWS = 10112
ZPT = AGG_ROWS // NS
OPT = 624


def _aggr_body(h_hbm, src_hbm, dst_hbm, out_hbm,
               sidx_v, didx_v, rows_v, zbuf_v, aggr_sh, gsem, ssem, dsem, csem):
    c = lax.axis_index("c")
    s = lax.axis_index("s")

    def _z(i, _):
        r = i // 8
        j = lax.rem(i, 8)
        zbuf_v[r, pl.ds(j * 16, 16)] = jnp.zeros((16,), jnp.float32)
        return 0
    lax.fori_loop(0, 128 * 8, _z, 0)

    zoff = s * ZPT
    for t in range(ZPT // 128):
        pltpu.sync_copy(zbuf_v, aggr_sh.at[pl.ds(zoff + t * 128, 128)])
    rem = ZPT - (ZPT // 128) * 128
    if rem:
        pltpu.sync_copy(zbuf_v.at[pl.ds(0, rem)],
                        aggr_sh.at[pl.ds(zoff + (ZPT // 128) * 128, rem)])
    plsc.subcore_barrier()

    wid = s * NC + c
    base = pl.multiple_of(wid * (CPW * CHUNK), CHUNK)

    def _chunk(k, _):
        off = pl.multiple_of(base + k * CHUNK, CHUNK)
        pltpu.sync_copy(src_hbm.at[pl.ds(off, CHUNK)], sidx_v.at[0])
        pltpu.sync_copy(dst_hbm.at[pl.ds(off, CHUNK)], didx_v.at[0])
        pltpu.async_copy(h_hbm.at[sidx_v.at[0]], rows_v.at[0], gsem).wait()
        pltpu.sync_copy(rows_v.at[0], aggr_sh.at[didx_v.at[0]], add=True)
        return 0
    lax.fori_loop(0, CPW, _chunk, 0)

    plsc.subcore_barrier()

    @pl.when(s < NS - 1)
    def _():
        pltpu.sync_copy(aggr_sh.at[pl.ds(s * OPT, OPT)],
                        out_hbm.at[c, pl.ds(s * OPT, OPT)])

    @pl.when(s == NS - 1)
    def _():
        last = N - (NS - 1) * OPT
        pltpu.sync_copy(aggr_sh.at[pl.ds((NS - 1) * OPT, last)],
                        out_hbm.at[c, pl.ds((NS - 1) * OPT, last)])


_aggr = pl.kernel(
    _aggr_body,
    out_type=jax.ShapeDtypeStruct((NC, N, D), jnp.float32),
    mesh=plsc.VectorSubcoreMesh(core_axis_name="c", subcore_axis_name="s",
                                num_cores=NC, num_subcores=NS),
    scratch_types=[
        pltpu.VMEM((2, CHUNK), jnp.int32),
        pltpu.VMEM((2, CHUNK), jnp.int32),
        pltpu.VMEM((2, CHUNK, D), jnp.float32),
        pltpu.VMEM((128, D), jnp.float32),
        pltpu.VMEM_SHARED((AGG_ROWS, D), jnp.float32),
        pltpu.SemaphoreType.DMA,
        pltpu.SemaphoreType.DMA,
        pltpu.SemaphoreType.DMA,
        pltpu.SemaphoreType.DMA,
    ],
)


def _layer_body(h_ref, p_ref, w1_ref, w2_ref, out_ref, *, relu_out):
    m = h_ref[...] + sum(p_ref[i] for i in range(NC))
    hmid = jnp.maximum(
        jnp.dot(m, w1_ref[...], preferred_element_type=jnp.float32,
                precision=lax.Precision.HIGHEST), 0.0)
    h2 = jnp.dot(hmid, w2_ref[...], preferred_element_type=jnp.float32,
                 precision=lax.Precision.HIGHEST)
    if relu_out:
        h2 = jnp.maximum(h2, 0.0)
    out_ref[...] = h2


def _layer(h, p, w1, w2, relu_out):
    return pl.pallas_call(
        functools.partial(_layer_body, relu_out=relu_out),
        out_shape=jax.ShapeDtypeStruct((N, D), jnp.float32),
    )(h, p, w1, w2)


def _pool_body(h_ref, b_ref, wp1_ref, wp2_ref, out_ref):
    b = b_ref[...]
    gid = lax.broadcasted_iota(jnp.int32, (NG, 1), 0)
    onehot_t = (gid == b).astype(jnp.float32)
    cnt = jnp.dot(onehot_t, jnp.ones((N, 1), jnp.float32),
                  preferred_element_type=jnp.float32)
    hsum = jnp.dot(onehot_t, h_ref[...],
                   preferred_element_type=jnp.float32,
                   precision=lax.Precision.HIGHEST)
    hg = hsum / jnp.maximum(cnt, 1.0)
    t = jnp.dot(hg, wp1_ref[...], preferred_element_type=jnp.float32,
                precision=lax.Precision.HIGHEST)
    out_ref[...] = jnp.dot(t, wp2_ref[...], preferred_element_type=jnp.float32,
                           precision=lax.Precision.HIGHEST)


def _pool(h, batch_row, wp1, wp2):
    return pl.pallas_call(
        _pool_body,
        out_shape=jax.ShapeDtypeStruct((NG, NCLS), jnp.float32),
    )(h, batch_row, wp1, wp2)


def kernel(x, edge_index, batch, node_coords,
           W1_0, W2_0, W1_1, W2_1, W1_2, W2_2, Wp1, Wp2):
    del node_coords
    src = edge_index[0].astype(jnp.int32)
    dst = edge_index[1].astype(jnp.int32)
    pad = E_PAD - E
    src_p = jnp.concatenate([src, jnp.zeros((pad,), jnp.int32)])
    dst_p = jnp.concatenate([dst, jnp.full((pad,), N, jnp.int32)])
    batch_row = batch.astype(jnp.int32).reshape(1, N)

    h = x
    for w1, w2, relu_out in ((W1_0, W2_0, True), (W1_1, W2_1, True),
                             (W1_2, W2_2, False)):
        p = _aggr(h, src_p, dst_p)
        h = _layer(h, p, w1, w2, relu_out)
    return _pool(h, batch_row, Wp1, Wp2)

# --- scband reference (transcript-rebuilt; emitter-appended) ---
"""Pipeline reference for scband-gra-pe-net-26809185861810 (READ-ONLY COPY).

The authoritative reference and input builder live on the scoring server;
editing this copy changes nothing except your own understanding.
"""

import jax, jax.numpy as jnp
import numpy as np

N = 10000
E = 320000
D_IN = 128
D_EMB = 128
N_LAYER = 3
N_GRAPH = 64
N_CLASS = 10


def setup_inputs(seed: int = 0) -> dict:
    key = jax.random.key(seed)
    ks = jax.random.split(key, 12)
    x = jax.random.normal(ks[0], (N, D_IN), dtype=jnp.float32)
    edge_index = jax.random.randint(ks[1], (2, E), 0, N)
    batch = jnp.sort(jax.random.randint(ks[2], (N,), 0, N_GRAPH))
    node_coords = jax.random.normal(ks[3], (N, 3), dtype=jnp.float32)
    s_in = float(np.sqrt(2.0 / D_IN))
    s_emb = float(np.sqrt(2.0 / D_EMB))
    W1_0 = jax.random.normal(ks[4], (D_IN, D_EMB), dtype=jnp.float32) * s_in
    W2_0 = jax.random.normal(ks[5], (D_EMB, D_EMB), dtype=jnp.float32) * s_emb
    W1_1 = jax.random.normal(ks[6], (D_EMB, D_EMB), dtype=jnp.float32) * s_emb
    W2_1 = jax.random.normal(ks[7], (D_EMB, D_EMB), dtype=jnp.float32) * s_emb
    W1_2 = jax.random.normal(ks[8], (D_EMB, D_EMB), dtype=jnp.float32) * s_emb
    W2_2 = jax.random.normal(ks[9], (D_EMB, D_EMB), dtype=jnp.float32) * s_emb
    Wp1 = jax.random.normal(ks[10], (D_EMB, D_EMB), dtype=jnp.float32) * s_emb
    Wp2 = jax.random.normal(ks[11], (D_EMB, N_CLASS), dtype=jnp.float32) * s_emb
    return {"x": x, "edge_index": edge_index, "batch": batch, "node_coords": node_coords,
            "W1_0": W1_0, "W2_0": W2_0, "W1_1": W1_1, "W2_1": W2_1,
            "W1_2": W1_2, "W2_2": W2_2, "Wp1": Wp1, "Wp2": Wp2}


def reference(x, edge_index, batch, node_coords,
              W1_0, W2_0, W1_1, W2_1, W1_2, W2_2, Wp1, Wp2):
    # GNN stack: num_layer GIN-style message passing layers (eps=0, jk='last', drop_ratio=0 at eval)
    src = edge_index[0]
    dst = edge_index[1]
    layer_ws = [(W1_0, W2_0), (W1_1, W2_1), (W1_2, W2_2)]
    h = x
    for li, (W1, W2) in enumerate(layer_ws):
        # gather messages from source nodes, scatter-add into destination nodes
        msg = jnp.take(h, src, axis=0)
        aggr = jax.ops.segment_sum(msg, dst, num_segments=N)
        m = h + aggr  # (1 + eps) * h + aggr with eps = 0
        hmid = jnp.maximum(jnp.dot(m, W1), 0.0)
        h = jnp.dot(hmid, W2)
        if li < len(layer_ws) - 1:
            h = jnp.maximum(h, 0.0)
    # global mean pooling over graphs using batch segment ids
    ones = jnp.ones((N,), dtype=h.dtype)
    cnt = jax.ops.segment_sum(ones, batch, num_segments=N_GRAPH)
    h_sum = jax.ops.segment_sum(h, batch, num_segments=N_GRAPH)
    h_graph = h_sum / jnp.clip(cnt, 1.0, None)[:, None]
    # pred head: two bias-free linears
    out = jnp.dot(jnp.dot(h_graph, Wp1), Wp2)
    return out

if __name__ == "__main__":
    import jax
    _d = setup_inputs()
    print(jax.jit(kernel)(*tuple(_d.values())))

</pallas_src>

<mosaic_0001>
#map = affine_map<(d0, d1) -> (0, 0)>
#map1 = affine_map<(d0, d1) -> (0)>
#map2 = affine_map<(d0, d1) -> (0, 0, 0)>
module attributes {stable_mosaic.version = 14 : i64} {
  func.func @_aggr_body(%arg0: i32, %arg1: i32, %arg2: memref<10000x128xf32, #tpu.memory_space<hbm>>, %arg3: memref<327680xi32, #tpu.memory_space<hbm>>, %arg4: memref<327680xi32, #tpu.memory_space<hbm>>, %arg5: memref<2x10000x128xf32, #tpu.memory_space<hbm>>, %arg6: memref<2x128xi32, #tpu.memory_space<vmem>>, %arg7: memref<2x128xi32, #tpu.memory_space<vmem>>, %arg8: memref<2x128x128xf32, #tpu.memory_space<vmem>>, %arg9: memref<128x128xf32, #tpu.memory_space<vmem>>, %arg10: memref<10112x128xf32, #tpu.memory_space<vmem_shared>>, %arg11: memref<!tpu.dma_semaphore, #tpu.memory_space<semaphore_mem>>, %arg12: memref<!tpu.dma_semaphore, #tpu.memory_space<semaphore_mem>>, %arg13: memref<!tpu.dma_semaphore, #tpu.memory_space<semaphore_mem>>, %arg14: memref<!tpu.dma_semaphore, #tpu.memory_space<semaphore_mem>>) attributes {dimension_semantics = [#tpu.dimension_semantics<core_parallel>, #tpu.dimension_semantics<subcore_parallel>], iteration_bounds = array<i64: 2, 16>, scalar_prefetch = 0 : i64, scratch_operands = 9 : i64, tpu.core_type = #tpu.core_type<sc_vector_subcore>, window_params = [{transform_indices = #map}, {transform_indices = #map1}, {transform_indices = #map1}, {transform_indices = #map2}]} {
    %scan3A = arith.constant 0 : i32
    %scan3A_0 = arith.constant 0 : i32
    %scan3A_1 = arith.constant 1024 : i32
    %scan3A_2 = arith.addi %scan3A_0, %scan3A_1 : i32
    %scan3A_3 = arith.constant 1 : i32
    %scan3A_4 = scf.for %scan3A_35 = %scan3A_0 to %scan3A_2 step %scan3A_3 iter_args(%scan3A_36 = %scan3A) -> (i32)  : i32 {
      %jit3A = arith.constant 8 : i32
      %div3A = arith.divsi %scan3A_35, %jit3A : i32
      %sign3A = arith.constant 0 : i32
      %sign3A_37 = arith.cmpi sgt, %scan3A_35, %sign3A : i32
      %sign3A_38 = arith.extui %sign3A_37 : i1 to i32
      %sign3A_39 = arith.constant 0 : i32
      %sign3A_40 = arith.cmpi slt, %scan3A_35, %sign3A_39 : i32
      %sign3A_41 = arith.extui %sign3A_40 : i1 to i32
      %sign3A_42 = arith.subi %sign3A_38, %sign3A_41 : i32
      %sign3A_43 = arith.constant 0 : i32
      %sign3A_44 = arith.cmpi sgt, %jit3A, %sign3A_43 : i32
      %sign3A_45 = arith.extui %sign3A_44 : i1 to i32
      %sign3A_46 = arith.constant 0 : i32
      %sign3A_47 = arith.cmpi slt, %jit3A, %sign3A_46 : i32
      %sign3A_48 = arith.extui %sign3A_47 : i1 to i32
      %sign3A_49 = arith.subi %sign3A_45, %sign3A_48 : i32
      %ne3A = arith.cmpi ne, %sign3A_42, %sign3A_49 : i32
      %rem3A = arith.remsi %scan3A_35, %jit3A : i32
      %ne3A_50 = arith.constant 0 : i32
      %ne3A_51 = arith.cmpi ne, %rem3A, %ne3A_50 : i32
      %and3A = arith.andi %ne3A, %ne3A_51 : i1
      %sub3A = arith.constant 1 : i32
      %sub3A_52 = arith.subi %div3A, %sub3A : i32
      %select_n3A = arith.select %and3A, %sub3A_52, %div3A : i32
      %rem3A_53 = arith.constant 8 : i32
      %rem3A_54 = arith.remsi %scan3A_35, %rem3A_53 : i32
      %broadcast_in_dim3A = arith.constant 0.000000e+00 : f32
      %broadcast_in_dim3A_55 = vector.broadcast %broadcast_in_dim3A : f32 to vector<16xf32>
      %mul3A_56 = arith.constant 16 : i32
      %mul3A_57 = arith.muli %rem3A_54, %mul3A_56 : i32
      %swap3A = arith.index_cast %select_n3A : i32 to index
      %swap3A_58 = arith.index_cast %mul3A_57 : i32 to index
      %swap3A_59 = tpu.vector_load %arg9[%swap3A, %swap3A_58] {strides = array<i32>} : memref<128x128xf32, #tpu.memory_space<vmem>>, vector<1x16xf32>,
      %swap3A_60 = vector.shape_cast %swap3A_59 : vector<1x16xf32> to vector<16xf32>
      %swap3A_61 = vector.shape_cast %broadcast_in_dim3A_55 : vector<16xf32> to vector<1x16xf32>
      tpu.vector_store %arg9[%swap3A, %swap3A_58], %swap3A_61 {strides = array<i32>} : memref<128x128xf32, #tpu.memory_space<vmem>>, vector<1x16xf32>,
      %scan3A_62 = arith.constant 0 : i32
      scf.yield %scan3A_62 : i32
    }
    %scan3A_5 = arith.constant 1024 : i32
    %mul3A = arith.constant 632 : i32
    %mul3A_6 = arith.muli %arg1, %mul3A : i32
    %add3A = arith.constant 0 : i32
    %add3A_7 = arith.addi %mul3A_6, %add3A : i32
    "tpu.region"() ({
      %run_scoped3A = tpu.sem_alloc : memref<!tpu.dma_semaphore, #tpu.memory_space<semaphore_mem>>
      %dma_start3A = arith.constant 0 : i32
      %dma_start3A_35 = tpu.memref_slice %arg10[%add3A_7, %dma_start3A] : memref<10112x128xf32, #tpu.memory_space<vmem_shared>> -> memref<128x128xf32, #tpu.memory_space<vmem_shared>>
      %dma_start3A_36 = arith.constant 0 : i32
      %dma_start3A_37 = tpu.memref_slice %arg10[%add3A_7, %dma_start3A_36] : memref<10112x128xf32, #tpu.memory_space<vmem_shared>> -> memref<128x128xf32, #tpu.memory_space<vmem_shared>>
      tpu.enqueue_dma source(%arg9 : memref<128x128xf32, #tpu.memory_space<vmem>>) target(%dma_start3A_37 : memref<128x128xf32, #tpu.memory_space<vmem_shared>>) target_semaphore(%run_scoped3A : memref<!tpu.dma_semaphore, #tpu.memory_space<semaphore_mem>>)
      %dma_wait3A = arith.constant 0 : i32
      %dma_wait3A_38 = tpu.memref_slice %arg10[%add3A_7, %dma_wait3A] : memref<10112x128xf32, #tpu.memory_space<vmem_shared>> -> memref<128x128xf32, #tpu.memory_space<vmem_shared>>
      %dma_wait3A_39 = arith.constant 0 : i32
      %dma_wait3A_40 = tpu.memref_slice %arg10[%add3A_7, %dma_wait3A_39] : memref<10112x128xf32, #tpu.memory_space<vmem_shared>> -> memref<128x128xf32, #tpu.memory_space<vmem_shared>>
      tpu.wait_dma2 semaphore(%run_scoped3A : memref<!tpu.dma_semaphore, #tpu.memory_space<semaphore_mem>>) src(%arg9 : memref<128x128xf32, #tpu.memory_space<vmem>>) dst(%dma_wait3A_40 : memref<128x128xf32, #tpu.memory_space<vmem_shared>>)
      tpu.yield
    }) : () -> ()
    %add3A_8 = arith.constant 128 : i32
    %add3A_9 = arith.addi %mul3A_6, %add3A_8 : i32
    "tpu.region"() ({
      %run_scoped3A = tpu.sem_alloc : memref<!tpu.dma_semaphore, #tpu.memory_space<semaphore_mem>>
      %dma_start3A = arith.constant 0 : i32
      %dma_start3A_35 = tpu.memref_slice %arg10[%add3A_9, %dma_start3A] : memref<10112x128xf32, #tpu.memory_space<vmem_shared>> -> memref<128x128xf32, #tpu.memory_space<vmem_shared>>
      %dma_start3A_36 = arith.constant 0 : i32
      %dma_start3A_37 = tpu.memref_slice %arg10[%add3A_9, %dma_start3A_36] : memref<10112x128xf32, #tpu.memory_space<vmem_shared>> -> memref<128x128xf32, #tpu.memory_space<vmem_shared>>
      tpu.enqueue_dma source(%arg9 : memref<128x128xf32, #tpu.memory_space<vmem>>) target(%dma_start3A_37 : memref<128x128xf32, #tpu.memory_space<vmem_shared>>) target_semaphore(%run_scoped3A : memref<!tpu.dma_semaphore, #tpu.memory_space<semaphore_mem>>)
      %dma_wait3A = arith.constant 0 : i32
      %dma_wait3A_38 = tpu.memref_slice %arg10[%add3A_9, %dma_wait3A] : memref<10112x128xf32, #tpu.memory_space<vmem_shared>> -> memref<128x128xf32, #tpu.memory_space<vmem_shared>>
      %dma_wait3A_39 = arith.constant 0 : i32
      %dma_wait3A_40 = tpu.memref_slice %arg10[%add3A_9, %dma_wait3A_39] : memref<10112x128xf32, #tpu.memory_space<vmem_shared>> -> memref<128x128xf32, #tpu.memory_space<vmem_shared>>
      tpu.wait_dma2 semaphore(%run_scoped3A : memref<!tpu.dma_semaphore, #tpu.memory_space<semaphore_mem>>) src(%arg9 : memref<128x128xf32, #tpu.memory_space<vmem>>) dst(%dma_wait3A_40 : memref<128x128xf32, #tpu.memory_space<vmem_shared>>)
      tpu.yield
    }) : () -> ()
    %add3A_10 = arith.constant 256 : i32
    %add3A_11 = arith.addi %mul3A_6, %add3A_10 : i32
    "tpu.region"() ({
      %run_scoped3A = tpu.sem_alloc : memref<!tpu.dma_semaphore, #tpu.memory_space<semaphore_mem>>
      %dma_start3A = arith.constant 0 : i32
      %dma_start3A_35 = tpu.memref_slice %arg10[%add3A_11, %dma_start3A] : memref<10112x128xf32, #tpu.memory_space<vmem_shared>> -> memref<128x128xf32, #tpu.memory_space<vmem_shared>>
      %dma_start3A_36 = arith.constant 0 : i32
      %dma_start3A_37 = tpu.memref_slice %arg10[%add3A_11, %dma_start3A_36] : memref<10112x128xf32, #tpu.memory_space<vmem_shared>> -> memref<128x128xf32, #tpu.memory_space<vmem_shared>>
      tpu.enqueue_dma source(%arg9 : memref<128x128xf32, #tpu.memory_space<vmem>>) target(%dma_start3A_37 : memref<128x128xf32, #tpu.memory_space<vmem_shared>>) target_semaphore(%run_scoped3A : memref<!tpu.dma_semaphore, #tpu.memory_space<semaphore_mem>>)
      %dma_wait3A = arith.constant 0 : i32
      %dma_wait3A_38 = tpu.memref_slice %arg10[%add3A_11, %dma_wait3A] : memref<10112x128xf32, #tpu.memory_space<vmem_shared>> -> memref<128x128xf32, #tpu.memory_space<vmem_shared>>
      %dma_wait3A_39 = arith.constant 0 : i32
      %dma_wait3A_40 = tpu.memref_slice %arg10[%add3A_11, %dma_wait3A_39] : memref<10112x128xf32, #tpu.memory_space<vmem_shared>> -> memref<128x128xf32, #tpu.memory_space<vmem_shared>>
      tpu.wait_dma2 semaphore(%run_scoped3A : memref<!tpu.dma_semaphore, #tpu.memory_space<semaphore_mem>>) src(%arg9 : memref<128x128xf32, #tpu.memory_space<vmem>>) dst(%dma_wait3A_40 : memref<128x128xf32, #tpu.memory_space<vmem_shared>>)
      tpu.yield
    }) : () -> ()
    %add3A_12 = arith.constant 384 : i32
    %add3A_13 = arith.addi %mul3A_6, %add3A_12 : i32
    "tpu.region"() ({
      %run_scoped3A = tpu.sem_alloc : memref<!tpu.dma_semaphore, #tpu.memory_space<semaphore_mem>>
      %dma_start3A = arith.constant 0 : i32
      %dma_start3A_35 = tpu.memref_slice %arg10[%add3A_13, %dma_start3A] : memref<10112x128xf32, #tpu.memory_space<vmem_shared>> -> memref<128x128xf32, #tpu.memory_space<vmem_shared>>
      %dma_start3A_36 = arith.constant 0 : i32
      %dma_start3A_37 = tpu.memref_slice %arg10[%add3A_13, %dma_start3A_36] : memref<10112x128xf32, #tpu.memory_space<vmem_shared>> -> memref<128x128xf32, #tpu.memory_space<vmem_shared>>
      tpu.enqueue_dma source(%arg9 : memref<128x128xf32, #tpu.memory_space<vmem>>) target(%dma_start3A_37 : memref<128x128xf32, #tpu.memory_space<vmem_shared>>) target_semaphore(%run_scoped3A : memref<!tpu.dma_semaphore, #tpu.memory_space<semaphore_mem>>)
      %dma_wait3A = arith.constant 0 : i32
      %dma_wait3A_38 = tpu.memref_slice %arg10[%add3A_13, %dma_wait3A] : memref<10112x128xf32, #tpu.memory_space<vmem_shared>> -> memref<128x128xf32, #tpu.memory_space<vmem_shared>>
      %dma_wait3A_39 = arith.constant 0 : i32
      %dma_wait3A_40 = tpu.memref_slice %arg10[%add3A_13, %dma_wait3A_39] : memref<10112x128xf32, #tpu.memory_space<vmem_shared>> -> memref<128x128xf32, #tpu.memory_space<vmem_shared>>
      tpu.wait_dma2 semaphore(%run_scoped3A : memref<!tpu.dma_semaphore, #tpu.memory_space<semaphore_mem>>) src(%arg9 : memref<128x128xf32, #tpu.memory_space<vmem>>) dst(%dma_wait3A_40 : memref<128x128xf32, #tpu.memory_space<vmem_shared>>)
      tpu.yield
    }) : () -> ()
    %add3A_14 = arith.constant 512 : i32
    %add3A_15 = arith.addi %mul3A_6, %add3A_14 : i32
    "tpu.region"() ({
      %run_scoped3A = tpu.sem_alloc : memref<!tpu.dma_semaphore, #tpu.memory_space<semaphore_mem>>
      %dma_start3A = arith.constant 0 : i32
      %dma_start3A_35 = arith.constant 0 : i32
      %dma_start3A_36 = tpu.memref_slice %arg9[%dma_start3A, %dma_start3A_35] : memref<128x128xf32, #tpu.memory_space<vmem>> -> memref<120x128xf32, #tpu.memory_space<vmem>>
      %dma_start3A_37 = arith.constant 0 : i32
      %dma_start3A_38 = tpu.memref_slice %arg10[%add3A_15, %dma_start3A_37] : memref<10112x128xf32, #tpu.memory_space<vmem_shared>> -> memref<120x128xf32, #tpu.memory_space<vmem_shared>>
      %dma_start3A_39 = arith.constant 0 : i32
      %dma_start3A_40 = tpu.memref_slice %arg10[%add3A_15, %dma_start3A_39] : memref<10112x128xf32, #tpu.memory_space<vmem_shared>> -> memref<120x128xf32, #tpu.memory_space<vmem_shared>>
      %dma_start3A_41 = arith.constant 0 : i32
      %dma_start3A_42 = arith.constant 0 : i32
      %dma_start3A_43 = tpu.memref_slice %arg9[%dma_start3A_41, %dma_start3A_42] : memref<128x128xf32, #tpu.memory_space<vmem>> -> memref<120x128xf32, #tpu.memory_space<vmem>>
      tpu.enqueue_dma source(%dma_start3A_43 : memref<120x128xf32, #tpu.memory_space<vmem>>) target(%dma_start3A_40 : memref<120x128xf32, #tpu.memory_space<vmem_shared>>) target_semaphore(%run_scoped3A : memref<!tpu.dma_semaphore, #tpu.memory_space<semaphore_mem>>)
      %dma_wait3A = arith.constant 0 : i32
      %dma_wait3A_44 = arith.constant 0 : i32
      %dma_wait3A_45 = tpu.memref_slice %arg9[%dma_wait3A, %dma_wait3A_44] : memref<128x128xf32, #tpu.memory_space<vmem>> -> memref<120x128xf32, #tpu.memory_space<vmem>>
      %dma_wait3A_46 = arith.constant 0 : i32
      %dma_wait3A_47 = tpu.memref_slice %arg10[%add3A_15, %dma_wait3A_46] : memref<10112x128xf32, #tpu.memory_space<vmem_shared>> -> memref<120x128xf32, #tpu.memory_space<vmem_shared>>
      %dma_wait3A_48 = arith.constant 0 : i32
      %dma_wait3A_49 = tpu.memref_slice %arg10[%add3A_15, %dma_wait3A_48] : memref<10112x128xf32, #tpu.memory_space<vmem_shared>> -> memref<120x128xf32, #tpu.memory_space<vmem_shared>>
      %dma_wait3A_50 = arith.constant 0 : i32
      %dma_wait3A_51 = arith.constant 0 : i32
      %dma_wait3A_52 = tpu.memref_slice %arg9[%dma_wait3A_50, %dma_wait3A_51] : memref<128x128xf32, #tpu.memory_space<vmem>> -> memref<120x128xf32, #tpu.memory_space<vmem>>
      tpu.wait_dma2 semaphore(%run_scoped3A : memref<!tpu.dma_semaphore, #tpu.memory_space<semaphore_mem>>) src(%dma_wait3A_52 : memref<120x128xf32, #tpu.memory_space<vmem>>) dst(%dma_wait3A_49 : memref<120x128xf32, #tpu.memory_space<vmem_shared>>)
      tpu.yield
    }) : () -> ()
    %barrier3A = arith.constant 0 : index
    tpu.barrier barrier_id(%barrier3A)
    %mul3A_16 = arith.constant 2 : i32
    %mul3A_17 = arith.muli %arg1, %mul3A_16 : i32
    %add3A_18 = arith.addi %mul3A_17, %arg0 : i32
    %mul3A_19 = arith.constant 10240 : i32
    %mul3A_20 = arith.muli %add3A_18, %mul3A_19 : i32
    %multiple_of3A = tpu.assume_multiple %mul3A_20, 128 : i32
    %scan3A_21 = arith.constant 0 : i32
    %scan3A_22 = arith.constant 0 : i32
    %scan3A_23 = arith.constant 80 : i32
    %scan3A_24 = arith.addi %scan3A_22, %scan3A_23 : i32
    %scan3A_25 = arith.constant 1 : i32
    %scan3A_26 = scf.for %scan3A_35 = %scan3A_22 to %scan3A_24 step %scan3A_25 iter_args(%scan3A_36 = %scan3A_21) -> (i32)  : i32 {
      %mul3A_37 = arith.constant 128 : i32
      %mul3A_38 = arith.muli %scan3A_35, %mul3A_37 : i32
      %add3A_39 = arith.addi %multiple_of3A, %mul3A_38 : i32
      %multiple_of3A_40 = tpu.assume_multiple %add3A_39, 128 : i32
      %run_scoped3A = arith.constant 0 : i32
      "tpu.region"() ({
        %run_scoped3A_67 = tpu.sem_alloc : memref<!tpu.dma_semaphore, #tpu.memory_space<semaphore_mem>>
        %dma_start3A_68 = arith.constant 0 : i32
        %dma_start3A_69 = tpu.memref_slice %arg6[%run_scoped3A, %dma_start3A_68] : memref<2x128xi32, #tpu.memory_space<vmem>> -> memref<1x128xi32, #tpu.memory_space<vmem>>
        %dma_start3A_70 = tpu.memref_squeeze %dma_start3A_69 : memref<1x128xi32, #tpu.memory_space<vmem>> -> memref<128xi32, #tpu.memory_space<vmem>>
        %dma_start3A_71 = tpu.memref_slice %arg3[%multiple_of3A_40] : memref<327680xi32, #tpu.memory_space<hbm>> -> memref<128xi32, #tpu.memory_space<hbm>>
        %dma_start3A_72 = arith.constant 0 : i32
        %dma_start3A_73 = tpu.memref_slice %arg6[%run_scoped3A, %dma_start3A_72] : memref<2x128xi32, #tpu.memory_space<vmem>> -> memref<1x128xi32, #tpu.memory_space<vmem>>
        %dma_start3A_74 = tpu.memref_squeeze %dma_start3A_73 : memref<1x128xi32, #tpu.memory_space<vmem>> -> memref<128xi32, #tpu.memory_space<vmem>>
        %dma_start3A_75 = tpu.memref_slice %arg3[%multiple_of3A_40] : memref<327680xi32, #tpu.memory_space<hbm>> -> memref<128xi32, #tpu.memory_space<hbm>>
        tpu.enqueue_dma source(%dma_start3A_75 : memref<128xi32, #tpu.memory_space<hbm>>) target(%dma_start3A_74 : memref<128xi32, #tpu.memory_space<vmem>>) target_semaphore(%run_scoped3A_67 : memref<!tpu.dma_semaphore, #tpu.memory_space<semaphore_mem>>)
        %dma_wait3A_76 = arith.constant 0 : i32
        %dma_wait3A_77 = tpu.memref_slice %arg6[%run_scoped3A, %dma_wait3A_76] : memref<2x128xi32, #tpu.memory_space<vmem>> -> memref<1x128xi32, #tpu.memory_space<vmem>>
        %dma_wait3A_78 = tpu.memref_squeeze %dma_wait3A_77 : memref<1x128xi32, #tpu.memory_space<vmem>> -> memref<128xi32, #tpu.memory_space<vmem>>
        %dma_wait3A_79 = tpu.memref_slice %arg3[%multiple_of3A_40] : memref<327680xi32, #tpu.memory_space<hbm>> -> memref<128xi32, #tpu.memory_space<hbm>>
        %dma_wait3A_80 = arith.constant 0 : i32
        %dma_wait3A_81 = tpu.memref_slice %arg6[%run_scoped3A, %dma_wait3A_80] : memref<2x128xi32, #tpu.memory_space<vmem>> -> memref<1x128xi32, #tpu.memory_space<vmem>>
        %dma_wait3A_82 = tpu.memref_squeeze %dma_wait3A_81 : memref<1x128xi32, #tpu.memory_space<vmem>> -> memref<128xi32, #tpu.memory_space<vmem>>
        %dma_wait3A_83 = tpu.memref_slice %arg3[%multiple_of3A_40] : memref<327680xi32, #tpu.memory_space<hbm>> -> memref<128xi32, #tpu.memory_space<hbm>>
        tpu.wait_dma2 semaphore(%run_scoped3A_67 : memref<!tpu.dma_semaphore, #tpu.memory_space<semaphore_mem>>) src(%dma_wait3A_83 : memref<128xi32, #tpu.memory_space<hbm>>) dst(%dma_wait3A_82 : memref<128xi32, #tpu.memory_space<vmem>>)
        tpu.yield
      }) : () -> ()
      %run_scoped3A_41 = arith.constant 0 : i32
      "tpu.region"() ({
        %run_scoped3A_67 = tpu.sem_alloc : memref<!tpu.dma_semaphore, #tpu.memory_space<semaphore_mem>>
        %dma_start3A_68 = arith.constant 0 : i32
        %dma_start3A_69 = tpu.memref_slice %arg7[%run_scoped3A_41, %dma_start3A_68] : memref<2x128xi32, #tpu.memory_space<vmem>> -> memref<1x128xi32, #tpu.memory_space<vmem>>
        %dma_start3A_70 = tpu.memref_squeeze %dma_start3A_69 : memref<1x128xi32, #tpu.memory_space<vmem>> -> memref<128xi32, #tpu.memory_space<vmem>>
        %dma_start3A_71 = tpu.memref_slice %arg4[%multiple_of3A_40] : memref<327680xi32, #tpu.memory_space<hbm>> -> memref<128xi32, #tpu.memory_space<hbm>>
        %dma_start3A_72 = arith.constant 0 : i32
        %dma_start3A_73 = tpu.memref_slice %arg7[%run_scoped3A_41, %dma_start3A_72] : memref<2x128xi32, #tpu.memory_space<vmem>> -> memref<1x128xi32, #tpu.memory_space<vmem>>
        %dma_start3A_74 = tpu.memref_squeeze %dma_start3A_73 : memref<1x128xi32, #tpu.memory_space<vmem>> -> memref<128xi32, #tpu.memory_space<vmem>>
        %dma_start3A_75 = tpu.memref_slice %arg4[%multiple_of3A_40] : memref<327680xi32, #tpu.memory_space<hbm>> -> memref<128xi32, #tpu.memory_space<hbm>>
        tpu.enqueue_dma source(%dma_start3A_75 : memref<128xi32, #tpu.memory_space<hbm>>) target(%dma_start3A_74 : memref<128xi32, #tpu.memory_space<vmem>>) target_semaphore(%run_scoped3A_67 : memref<!tpu.dma_semaphore, #tpu.memory_space<semaphore_mem>>)
        %dma_wait3A_76 = arith.constant 0 : i32
        %dma_wait3A_77 = tpu.memref_slice %arg7[%run_scoped3A_41, %dma_wait3A_76] : memref<2x128xi32, #tpu.memory_space<vmem>> -> memref<1x128xi32, #tpu.memory_space<vmem>>
        %dma_wait3A_78 = tpu.memref_squeeze %dma_wait3A_77 : memref<1x128xi32, #tpu.memory_space<vmem>> -> memref<128xi32, #tpu.memory_space<vmem>>
        %dma_wait3A_79 = tpu.memref_slice %arg4[%multiple_of3A_40] : memref<327680xi32, #tpu.memory_space<hbm>> -> memref<128xi32, #tpu.memory_space<hbm>>
        %dma_wait3A_80 = arith.constant 0 : i32
        %dma_wait3A_81 = tpu.memref_slice %arg7[%run_scoped3A_41, %dma_wait3A_80] : memref<2x128xi32, #tpu.memory_space<vmem>> -> memref<1x128xi32, #tpu.memory_space<vmem>>
        %dma_wait3A_82 = tpu.memref_squeeze %dma_wait3A_81 : memref<1x128xi32, #tpu.memory_space<vmem>> -> memref<128xi32, #tpu.memory_space<vmem>>
        %dma_wait3A_83 = tpu.memref_slice %arg4[%multiple_of3A_40] : memref<327680xi32, #tpu.memory_space<hbm>> -> memref<128xi32, #tpu.memory_space<hbm>>
        tpu.wait_dma2 semaphore(%run_scoped3A_67 : memref<!tpu.dma_semaphore, #tpu.memory_space<semaphore_mem>>) src(%dma_wait3A_83 : memref<128xi32, #tpu.memory_space<hbm>>) dst(%dma_wait3A_82 : memref<128xi32, #tpu.memory_space<vmem>>)
        tpu.yield
      }) : () -> ()
      %dma_start3A = arith.constant 0 : i32
      %dma_start3A_42 = arith.constant 0 : i32
      %dma_start3A_43 = arith.constant 0 : i32
      %dma_start3A_44 = arith.constant 0 : i32
      %dma_start3A_45 = tpu.memref_slice %arg8[%dma_start3A_42, %dma_start3A_43, %dma_start3A_44] : memref<2x128x128xf32, #tpu.memory_space<vmem>> -> memref<1x128x128xf32, #tpu.memory_space<vmem>>
      %dma_start3A_46 = tpu.memref_squeeze %dma_start3A_45 : memref<1x128x128xf32, #tpu.memory_space<vmem>> -> memref<128x128xf32, #tpu.memory_space<vmem>>
      %dma_start3A_47 = arith.constant 0 : i32
      %dma_start3A_48 = tpu.memref_slice %arg6[%dma_start3A, %dma_start3A_47] : memref<2x128xi32, #tpu.memory_space<vmem>> -> memref<1x128xi32, #tpu.memory_space<vmem>>
      %dma_start3A_49 = tpu.memref_squeeze %dma_start3A_48 : memref<1x128xi32, #tpu.memory_space<vmem>> -> memref<128xi32, #tpu.memory_space<vmem>>
      %dma_start3A_50 = arith.constant 0 : i32
      %dma_start3A_51 = arith.constant 0 : i32
      %dma_start3A_52 = tpu.memref_slice %arg2[%dma_start3A_50, %dma_start3A_51] : memref<10000x128xf32, #tpu.memory_space<hbm>> -> memref<10000x128xf32, #tpu.memory_space<hbm>>
      tpu.enqueue_indirect_dma source(%dma_start3A_52 : memref<10000x128xf32, #tpu.memory_space<hbm>>) target(%dma_start3A_46 : memref<128x128xf32, #tpu.memory_space<vmem>>) offsets(%dma_start3A_49 : memref<128xi32, #tpu.memory_space<vmem>>) semaphore(%arg11 : memref<!tpu.dma_semaphore, #tpu.memory_space<semaphore_mem>>)
      %dma_wait3A = arith.constant 0 : i32
      %dma_wait3A_53 = arith.constant 0 : i32
      %dma_wait3A_54 = arith.constant 0 : i32
      %dma_wait3A_55 = arith.constant 0 : i32
      %dma_wait3A_56 = tpu.memref_slice %arg8[%dma_wait3A_53, %dma_wait3A_54, %dma_wait3A_55] : memref<2x128x128xf32, #tpu.memory_space<vmem>> -> memref<1x128x128xf32, #tpu.memory_space<vmem>>
      %dma_wait3A_57 = tpu.memref_squeeze %dma_wait3A_56 : memref<1x128x128xf32, #tpu.memory_space<vmem>> -> memref<128x128xf32, #tpu.memory_space<vmem>>
      %dma_wait3A_58 = arith.constant 0 : i32
      %dma_wait3A_59 = tpu.memref_slice %arg6[%dma_wait3A, %dma_wait3A_58] : memref<2x128xi32, #tpu.memory_space<vmem>> -> memref<1x128xi32, #tpu.memory_space<vmem>>
      %dma_wait3A_60 = tpu.memref_squeeze %dma_wait3A_59 : memref<1x128xi32, #tpu.memory_space<vmem>> -> memref<128xi32, #tpu.memory_space<vmem>>
      %dma_wait3A_61 = arith.constant 0 : i32
      %dma_wait3A_62 = arith.constant 0 : i32
      %dma_wait3A_63 = tpu.memref_slice %arg2[%dma_wait3A_61, %dma_wait3A_62] : memref<10000x128xf32, #tpu.memory_space<hbm>> -> memref<10000x128xf32, #tpu.memory_space<hbm>>
      tpu.wait_indirect_dma semaphore(%arg11 : memref<!tpu.dma_semaphore, #tpu.memory_space<semaphore_mem>>) src(%dma_wait3A_63 : memref<10000x128xf32, #tpu.memory_space<hbm>>) dst(%dma_wait3A_57 : memref<128x128xf32, #tpu.memory_space<vmem>>)
      %run_scoped3A_64 = arith.constant 0 : i32
      %run_scoped3A_65 = arith.constant 0 : i32
      "tpu.region"() ({
        %run_scoped3A_67 = tpu.sem_alloc : memref<!tpu.dma_semaphore, #tpu.memory_space<semaphore_mem>>
        %dma_start3A_68 = arith.constant 0 : i32
        %dma_start3A_69 = arith.constant 0 : i32
        %dma_start3A_70 = tpu.memref_slice %arg8[%run_scoped3A_64, %dma_start3A_68, %dma_start3A_69] : memref<2x128x128xf32, #tpu.memory_space<vmem>> -> memref<1x128x128xf32, #tpu.memory_space<vmem>>
        %dma_start3A_71 = tpu.memref_squeeze %dma_start3A_70 : memref<1x128x128xf32, #tpu.memory_space<vmem>> -> memref<128x128xf32, #tpu.memory_space<vmem>>
        %dma_start3A_72 = arith.constant 0 : i32
        %dma_start3A_73 = tpu.memref_slice %arg7[%run_scoped3A_65, %dma_start3A_72] : memref<2x128xi32, #tpu.memory_space<vmem>> -> memref<1x128xi32, #tpu.memory_space<vmem>>
        %dma_start3A_74 = tpu.memref_squeeze %dma_start3A_73 : memref<1x128xi32, #tpu.memory_space<vmem>> -> memref<128xi32, #tpu.memory_space<vmem>>
        %dma_start3A_75 = arith.constant 0 : i32
        %dma_start3A_76 = arith.constant 0 : i32
        %dma_start3A_77 = tpu.memref_slice %arg10[%dma_start3A_75, %dma_start3A_76] : memref<10112x128xf32, #tpu.memory_space<vmem_shared>> -> memref<10112x128xf32, #tpu.memory_space<vmem_shared>>
        tpu.enqueue_indirect_dma source(%dma_start3A_71 : memref<128x128xf32, #tpu.memory_space<vmem>>) target(%dma_start3A_77 : memref<10112x128xf32, #tpu.memory_space<vmem_shared>>) offsets(%dma_start3A_74 : memref<128xi32, #tpu.memory_space<vmem>>) semaphore(%run_scoped3A_67 : memref<!tpu.dma_semaphore, #tpu.memory_space<semaphore_mem>>) {add = true}
        %dma_wait3A_78 = arith.constant 0 : i32
        %dma_wait3A_79 = arith.constant 0 : i32
        %dma_wait3A_80 = tpu.memref_slice %arg8[%run_scoped3A_64, %dma_wait3A_78, %dma_wait3A_79] : memref<2x128x128xf32, #tpu.memory_space<vmem>> -> memref<1x128x128xf32, #tpu.memory_space<vmem>>
        %dma_wait3A_81 = tpu.memref_squeeze %dma_wait3A_80 : memref<1x128x128xf32, #tpu.memory_space<vmem>> -> memref<128x128xf32, #tpu.memory_space<vmem>>
        %dma_wait3A_82 = arith.constant 0 : i32
        %dma_wait3A_83 = tpu.memref_slice %arg7[%run_scoped3A_65, %dma_wait3A_82] : memref<2x128xi32, #tpu.memory_space<vmem>> -> memref<1x128xi32, #tpu.memory_space<vmem>>
        %dma_wait3A_84 = tpu.memref_squeeze %dma_wait3A_83 : memref<1x128xi32, #tpu.memory_space<vmem>> -> memref<128xi32, #tpu.memory_space<vmem>>
        %dma_wait3A_85 = arith.constant 0 : i32
        %dma_wait3A_86 = arith.constant 0 : i32
        %dma_wait3A_87 = tpu.memref_slice %arg10[%dma_wait3A_85, %dma_wait3A_86] : memref<10112x128xf32, #tpu.memory_space<vmem_shared>> -> memref<10112x128xf32, #tpu.memory_space<vmem_shared>>
        tpu.wait_indirect_dma semaphore(%run_scoped3A_67 : memref<!tpu.dma_semaphore, #tpu.memory_space<semaphore_mem>>) src(%dma_wait3A_81 : memref<128x128xf32, #tpu.memory_space<vmem>>) dst(%dma_wait3A_87 : memref<10112x128xf32, #tpu.memory_space<vmem_shared>>)
        tpu.yield
      }) : () -> ()
      %scan3A_66 = arith.constant 0 : i32
      scf.yield %scan3A_66 : i32
    }
    %scan3A_27 = arith.constant 80 : i32
    %barrier3A_28 = arith.constant 0 : index
    tpu.barrier barrier_id(%barrier3A_28)
    %lt3A = arith.constant 15 : i32
    %lt3A_29 = arith.cmpi slt, %arg1, %lt3A : i32
    %convert_element_type3A = arith.extui %lt3A_29 : i1 to i32
    %cond3A = arith.constant 0 : i32
    %cond3A_30 = arith.cmpi ne, %convert_element_type3A, %cond3A : i32
    scf.if %cond3A_30 {
      %mul3A_35 = arith.constant 624 : i32
      %mul3A_36 = arith.muli %arg1, %mul3A_35 : i32
      %mul3A_37 = arith.constant 624 : i32
      %mul3A_38 = arith.muli %arg1, %mul3A_37 : i32
      "tpu.region"() ({
        %run_scoped3A = tpu.sem_alloc : memref<!tpu.dma_semaphore, #tpu.memory_space<semaphore_mem>>
        %dma_start3A = arith.constant 0 : i32
        %dma_start3A_39 = tpu.memref_slice %arg5[%arg0, %mul3A_38, %dma_start3A] : memref<2x10000x128xf32, #tpu.memory_space<hbm>> -> memref<1x624x128xf32, #tpu.memory_space<hbm>>
        %dma_start3A_40 = tpu.memref_squeeze %dma_start3A_39 : memref<1x624x128xf32, #tpu.memory_space<hbm>> -> memref<624x128xf32, #tpu.memory_space<hbm>>
        %dma_start3A_41 = arith.constant 0 : i32
        %dma_start3A_42 = tpu.memref_slice %arg10[%mul3A_36, %dma_start3A_41] : memref<10112x128xf32, #tpu.memory_space<vmem_shared>> -> memref<624x128xf32, #tpu.memory_space<vmem_shared>>
        tpu.enqueue_dma source(%dma_start3A_42 : memref<624x128xf32, #tpu.memory_space<vmem_shared>>) target(%dma_start3A_40 : memref<624x128xf32, #tpu.memory_space<hbm>>) target_semaphore(%run_scoped3A : memref<!tpu.dma_semaphore, #tpu.memory_space<semaphore_mem>>)
        %dma_wait3A = arith.constant 0 : i32
        %dma_wait3A_43 = tpu.memref_slice %arg5[%arg0, %mul3A_38, %dma_wait3A] : memref<2x10000x128xf32, #tpu.memory_space<hbm>> -> memref<1x624x128xf32, #tpu.memory_space<hbm>>
        %dma_wait3A_44 = tpu.memref_squeeze %dma_wait3A_43 : memref<1x624x128xf32, #tpu.memory_space<hbm>> -> memref<624x128xf32, #tpu.memory_space<hbm>>
        %dma_wait3A_45 = arith.constant 0 : i32
        %dma_wait3A_46 = tpu.memref_slice %arg10[%mul3A_36, %dma_wait3A_45] : memref<10112x128xf32, #tpu.memory_space<vmem_shared>> -> memref<624x128xf32, #tpu.memory_space<vmem_shared>>
        tpu.wait_dma2 semaphore(%run_scoped3A : memref<!tpu.dma_semaphore, #tpu.memory_space<semaphore_mem>>) src(%dma_wait3A_46 : memref<624x128xf32, #tpu.memory_space<vmem_shared>>) dst(%dma_wait3A_44 : memref<624x128xf32, #tpu.memory_space<hbm>>)
        tpu.yield
      }) : () -> ()
    } else {
    }
    %eq3A = arith.constant 15 : i32
    %eq3A_31 = arith.cmpi eq, %arg1, %eq3A : i32
    %convert_element_type3A_32 = arith.extui %eq3A_31 : i1 to i32
    %cond3A_33 = arith.constant 0 : i32
    %cond3A_34 = arith.cmpi ne, %convert_element_type3A_32, %cond3A_33 : i32
    scf.if %cond3A_34 {
      "tpu.region"() ({
        %run_scoped3A = tpu.sem_alloc : memref<!tpu.dma_semaphore, #tpu.memory_space<semaphore_mem>>
        %dma_start3A = arith.constant 9360 : i32
        %dma_start3A_35 = arith.constant 0 : i32
        %dma_start3A_36 = tpu.memref_slice %arg5[%arg0, %dma_start3A, %dma_start3A_35] : memref<2x10000x128xf32, #tpu.memory_space<hbm>> -> memref<1x640x128xf32, #tpu.memory_space<hbm>>
        %dma_start3A_37 = tpu.memref_squeeze %dma_start3A_36 : memref<1x640x128xf32, #tpu.memory_space<hbm>> -> memref<640x128xf32, #tpu.memory_space<hbm>>
        %dma_start3A_38 = arith.constant 9360 : i32
        %dma_start3A_39 = arith.constant 0 : i32
        %dma_start3A_40 = tpu.memref_slice %arg10[%dma_start3A_38, %dma_start3A_39] : memref<10112x128xf32, #tpu.memory_space<vmem_shared>> -> memref<640x128xf32, #tpu.memory_space<vmem_shared>>
        tpu.enqueue_dma source(%dma_start3A_40 : memref<640x128xf32, #tpu.memory_space<vmem_shared>>) target(%dma_start3A_37 : memref<640x128xf32, #tpu.memory_space<hbm>>) target_semaphore(%run_scoped3A : memref<!tpu.dma_semaphore, #tpu.memory_space<semaphore_mem>>)
        %dma_wait3A = arith.constant 9360 : i32
        %dma_wait3A_41 = arith.constant 0 : i32
        %dma_wait3A_42 = tpu.memref_slice %arg5[%arg0, %dma_wait3A, %dma_wait3A_41] : memref<2x10000x128xf32, #tpu.memory_space<hbm>> -> memref<1x640x128xf32, #tpu.memory_space<hbm>>
        %dma_wait3A_43 = tpu.memref_squeeze %dma_wait3A_42 : memref<1x640x128xf32, #tpu.memory_space<hbm>> -> memref<640x128xf32, #tpu.memory_space<hbm>>
        %dma_wait3A_44 = arith.constant 9360 : i32
        %dma_wait3A_45 = arith.constant 0 : i32
        %dma_wait3A_46 = tpu.memref_slice %arg10[%dma_wait3A_44, %dma_wait3A_45] : memref<10112x128xf32, #tpu.memory_space<vmem_shared>> -> memref<640x128xf32, #tpu.memory_space<vmem_shared>>
        tpu.wait_dma2 semaphore(%run_scoped3A : memref<!tpu.dma_semaphore, #tpu.memory_space<semaphore_mem>>) src(%dma_wait3A_46 : memref<640x128xf32, #tpu.memory_space<vmem_shared>>) dst(%dma_wait3A_43 : memref<640x128xf32, #tpu.memory_space<hbm>>)
        tpu.yield
      }) : () -> ()
    } else {
    }
    return
  }
}

#map = affine_map<(d0, d1) -> (0, 0)>
#map1 = affine_map<(d0, d1) -> (0)>
#map2 = affine_map<(d0, d1) -> (0, 0, 0)>
module attributes {stable_mosaic.version = 14 : i64} {
  func.func @_aggr_body(%arg0: i32, %arg1: i32, %arg2: memref<10000x128xf32, #tpu.memory_space<hbm>>, %arg3: memref<327680xi32, #tpu.memory_space<hbm>>, %arg4: memref<327680xi32, #tpu.memory_space<hbm>>, %arg5: memref<2x10000x128xf32, #tpu.memory_space<hbm>>, %arg6: memref<2x128xi32, #tpu.memory_space<vmem>>, %arg7: memref<2x128xi32, #tpu.memory_space<vmem>>, %arg8: memref<2x128x128xf32, #tpu.memory_space<vmem>>, %arg9: memref<128x128xf32, #tpu.memory_space<vmem>>, %arg10: memref<10112x128xf32, #tpu.memory_space<vmem_shared>>, %arg11: memref<!tpu.dma_semaphore, #tpu.memory_space<semaphore_mem>>, %arg12: memref<!tpu.dma_semaphore, #tpu.memory_space<semaphore_mem>>, %arg13: memref<!tpu.dma_semaphore, #tpu.memory_space<semaphore_mem>>, %arg14: memref<!tpu.dma_semaphore, #tpu.memory_space<semaphore_mem>>) attributes {dimension_semantics = [#tpu.dimension_semantics<core_parallel>, #tpu.dimension_semantics<subcore_parallel>], iteration_bounds = array<i64: 2, 16>, scalar_prefetch = 0 : i64, scratch_operands = 9 : i64, tpu.core_type = #tpu.core_type<sc_vector_subcore>, window_params = [{transform_indices = #map}, {transform_indices = #map1}, {transform_indices = #map1}, {transform_indices = #map2}]} {
    %scan3A = arith.constant 0 : i32
    %scan3A_0 = arith.constant 0 : i32
    %scan3A_1 = arith.constant 1024 : i32
    %scan3A_2 = arith.addi %scan3A_0, %scan3A_1 : i32
    %scan3A_3 = arith.constant 1 : i32
    %scan3A_4 = scf.for %scan3A_35 = %scan3A_0 to %scan3A_2 step %scan3A_3 iter_args(%scan3A_36 = %scan3A) -> (i32)  : i32 {
      %jit3A = arith.constant 8 : i32
      %div3A = arith.divsi %scan3A_35, %jit3A : i32
      %sign3A = arith.constant 0 : i32
      %sign3A_37 = arith.cmpi sgt, %scan3A_35, %sign3A : i32
      %sign3A_38 = arith.extui %sign3A_37 : i1 to i32
      %sign3A_39 = arith.constant 0 : i32
      %sign3A_40 = arith.cmpi slt, %scan3A_35, %sign3A_39 : i32
      %sign3A_41 = arith.extui %sign3A_40 : i1 to i32
      %sign3A_42 = arith.subi %sign3A_38, %sign3A_41 : i32
      %sign3A_43 = arith.constant 0 : i32
      %sign3A_44 = arith.cmpi sgt, %jit3A, %sign3A_43 : i32
      %sign3A_45 = arith.extui %sign3A_44 : i1 to i32
      %sign3A_46 = arith.constant 0 : i32
      %sign3A_47 = arith.cmpi slt, %jit3A, %sign3A_46 : i32
      %sign3A_48 = arith.extui %sign3A_47 : i1 to i32
      %sign3A_49 = arith.subi %sign3A_45, %sign3A_48 : i32
      %ne3A = arith.cmpi ne, %sign3A_42, %sign3A_49 : i32
      %rem3A = arith.remsi %scan3A_35, %jit3A : i32
      %ne3A_50 = arith.constant 0 : i32
      %ne3A_51 = arith.cmpi ne, %rem3A, %ne3A_50 : i32
      %and3A = arith.andi %ne3A, %ne3A_51 : i1
      %sub3A = arith.constant 1 : i32
      %sub3A_52 = arith.subi %div3A, %sub3A : i32
      %select_n3A = arith.select %and3A, %sub3A_52, %div3A : i32
      %rem3A_53 = arith.constant 8 : i32
      %rem3A_54 = arith.remsi %scan3A_35, %rem3A_53 : i32
      %broadcast_in_dim3A = arith.constant 0.000000e+00 : f32
      %broadcast_in_dim3A_55 = vector.broadcast %broadcast_in_dim3A : f32 to vector<16xf32>
      %mul3A_56 = arith.constant 16 : i32
      %mul3A_57 = arith.muli %rem3A_54, %mul3A_56 : i32
      %swap3A = arith.index_cast %select_n3A : i32 to index
      %swap3A_58 = arith.index_cast %mul3A_57 : i32 to index
      %swap3A_59 = tpu.vector_load %arg9[%swap3A, %swap3A_58] {strides = array<i32>} : memref<128x128xf32, #tpu.memory_space<vmem>>, vector<1x16xf32>,
      %swap3A_60 = vector.shape_cast %swap3A_59 : vector<1x16xf32> to vector<16xf32>
      %swap3A_61 = vector.shape_cast %broadcast_in_dim3A_55 : vector<16xf32> to vector<1x16xf32>
      tpu.vector_store %arg9[%swap3A, %swap3A_58], %swap3A_61 {strides = array<i32>} : memref<128x128xf32, #tpu.memory_space<vmem>>, vector<1x16xf32>,
      %scan3A_62 = arith.constant 0 : i32
      scf.yield %scan3A_62 : i32
    }
    %scan3A_5 = arith.constant 1024 : i32
    %mul3A = arith.constant 632 : i32
    %mul3A_6 = arith.muli %arg1, %mul3A : i32
    %add3A = arith.constant 0 : i32
    %add3A_7 = arith.addi %mul3A_6, %add3A : i32
    "tpu.region"() ({
      %run_scoped3A = tpu.sem_alloc : memref<!tpu.dma_semaphore, #tpu.memory_space<semaphore_mem>>
      %dma_start3A = arith.constant 0 : i32
      %dma_start3A_35 = tpu.memref_slice %arg10[%add3A_7, %dma_start3A] : memref<10112x128xf32, #tpu.memory_space<vmem_shared>> -> memref<128x128xf32, #tpu.memory_space<vmem_shared>>
      %dma_start3A_36 = arith.constant 0 : i32
      %dma_start3A_37 = tpu.memref_slice %arg10[%add3A_7, %dma_start3A_36] : memref<10112x128xf32, #tpu.memory_space<vmem_shared>> -> memref<128x128xf32, #tpu.memory_space<vmem_shared>>
      tpu.enqueue_dma source(%arg9 : memref<128x128xf32, #tpu.memory_space<vmem>>) target(%dma_start3A_37 : memref<128x128xf32, #tpu.memory_space<vmem_shared>>) target_semaphore(%run_scoped3A : memref<!tpu.dma_semaphore, #tpu.memory_space<semaphore_mem>>)
      %dma_wait3A = arith.constant 0 : i32
      %dma_wait3A_38 = tpu.memref_slice %arg10[%add3A_7, %dma_wait3A] : memref<10112x128xf32, #tpu.memory_space<vmem_shared>> -> memref<128x128xf32, #tpu.memory_space<vmem_shared>>
      %dma_wait3A_39 = arith.constant 0 : i32
      %dma_wait3A_40 = tpu.memref_slice %arg10[%add3A_7, %dma_wait3A_39] : memref<10112x128xf32, #tpu.memory_space<vmem_shared>> -> memref<128x128xf32, #tpu.memory_space<vmem_shared>>
      tpu.wait_dma2 semaphore(%run_scoped3A : memref<!tpu.dma_semaphore, #tpu.memory_space<semaphore_mem>>) src(%arg9 : memref<128x128xf32, #tpu.memory_space<vmem>>) dst(%dma_wait3A_40 : memref<128x128xf32, #tpu.memory_space<vmem_shared>>)
      tpu.yield
    }) : () -> ()
    %add3A_8 = arith.constant 128 : i32
    %add3A_9 = arith.addi %mul3A_6, %add3A_8 : i32
    "tpu.region"() ({
      %run_scoped3A = tpu.sem_alloc : memref<!tpu.dma_semaphore, #tpu.memory_space<semaphore_mem>>
      %dma_start3A = arith.constant 0 : i32
      %dma_start3A_35 = tpu.memref_slice %arg10[%add3A_9, %dma_start3A] : memref<10112x128xf32, #tpu.memory_space<vmem_shared>> -> memref<128x128xf32, #tpu.memory_space<vmem_shared>>
      %dma_start3A_36 = arith.constant 0 : i32
      %dma_start3A_37 = tpu.memref_slice %arg10[%add3A_9, %dma_start3A_36] : memref<10112x128xf32, #tpu.memory_space<vmem_shared>> -> memref<128x128xf32, #tpu.memory_space<vmem_shared>>
      tpu.enqueue_dma source(%arg9 : memref<128x128xf32, #tpu.memory_space<vmem>>) target(%dma_start3A_37 : memref<128x128xf32, #tpu.memory_space<vmem_shared>>) target_semaphore(%run_scoped3A : memref<!tpu.dma_semaphore, #tpu.memory_space<semaphore_mem>>)
      %dma_wait3A = arith.constant 0 : i32
      %dma_wait3A_38 = tpu.memref_slice %arg10[%add3A_9, %dma_wait3A] : memref<10112x128xf32, #tpu.memory_space<vmem_shared>> -> memref<128x128xf32, #tpu.memory_space<vmem_shared>>
      %dma_wait3A_39 = arith.constant 0 : i32
      %dma_wait3A_40 = tpu.memref_slice %arg10[%add3A_9, %dma_wait3A_39] : memref<10112x128xf32, #tpu.memory_space<vmem_shared>> -> memref<128x128xf32, #tpu.memory_space<vmem_shared>>
      tpu.wait_dma2 semaphore(%run_scoped3A : memref<!tpu.dma_semaphore, #tpu.memory_space<semaphore_mem>>) src(%arg9 : memref<128x128xf32, #tpu.memory_space<vmem>>) dst(%dma_wait3A_40 : memref<128x128xf32, #tpu.memory_space<vmem_shared>>)
      tpu.yield
    }) : () -> ()
    %add3A_10 = arith.constant 256 : i32
    %add3A_11 = arith.addi %mul3A_6, %add3A_10 : i32
    "tpu.region"() ({
      %run_scoped3A = tpu.sem_alloc : memref<!tpu.dma_semaphore, #tpu.memory_space<semaphore_mem>>
      %dma_start3A = arith.constant 0 : i32
      %dma_start3A_35 = tpu.memref_slice %arg10[%add3A_11, %dma_start3A] : memref<10112x128xf32, #tpu.memory_space<vmem_shared>> -> memref<128x128xf32, #tpu.memory_space<vmem_shared>>
      %dma_start3A_36 = arith.constant 0 : i32
      %dma_start3A_37 = tpu.memref_slice %arg10[%add3A_11, %dma_start3A_36] : memref<10112x128xf32, #tpu.memory_space<vmem_shared>> -> memref<128x128xf32, #tpu.memory_space<vmem_shared>>
      tpu.enqueue_dma source(%arg9 : memref<128x128xf32, #tpu.memory_space<vmem>>) target(%dma_start3A_37 : memref<128x128xf32, #tpu.memory_space<vmem_shared>>) target_semaphore(%run_scoped3A : memref<!tpu.dma_semaphore, #tpu.memory_space<semaphore_mem>>)
      %dma_wait3A = arith.constant 0 : i32
      %dma_wait3A_38 = tpu.memref_slice %arg10[%add3A_11, %dma_wait3A] : memref<10112x128xf32, #tpu.memory_space<vmem_shared>> -> memref<128x128xf32, #tpu.memory_space<vmem_shared>>
      %dma_wait3A_39 = arith.constant 0 : i32
      %dma_wait3A_40 = tpu.memref_slice %arg10[%add3A_11, %dma_wait3A_39] : memref<10112x128xf32, #tpu.memory_space<vmem_shared>> -> memref<128x128xf32, #tpu.memory_space<vmem_shared>>
      tpu.wait_dma2 semaphore(%run_scoped3A : memref<!tpu.dma_semaphore, #tpu.memory_space<semaphore_mem>>) src(%arg9 : memref<128x128xf32, #tpu.memory_space<vmem>>) dst(%dma_wait3A_40 : memref<128x128xf32, #tpu.memory_space<vmem_shared>>)
      tpu.yield
    }) : () -> ()
    %add3A_12 = arith.constant 384 : i32
    %add3A_13 = arith.addi %mul3A_6, %add3A_12 : i32
    "tpu.region"() ({
      %run_scoped3A = tpu.sem_alloc : memref<!tpu.dma_semaphore, #tpu.memory_space<semaphore_mem>>
      %dma_start3A = arith.constant 0 : i32
      %dma_start3A_35 = tpu.memref_slice %arg10[%add3A_13, %dma_start3A] : memref<10112x128xf32, #tpu.memory_space<vmem_shared>> -> memref<128x128xf32, #tpu.memory_space<vmem_shared>>
      %dma_start3A_36 = arith.constant 0 : i32
      %dma_start3A_37 = tpu.memref_slice %arg10[%add3A_13, %dma_start3A_36] : memref<10112x128xf32, #tpu.memory_space<vmem_shared>> -> memref<128x128xf32, #tpu.memory_space<vmem_shared>>
      tpu.enqueue_dma source(%arg9 : memref<128x128xf32, #tpu.memory_space<vmem>>) target(%dma_start3A_37 : memref<128x128xf32, #tpu.memory_space<vmem_shared>>) target_semaphore(%run_scoped3A : memref<!tpu.dma_semaphore, #tpu.memory_space<semaphore_mem>>)
      %dma_wait3A = arith.constant 0 : i32
      %dma_wait3A_38 = tpu.memref_slice %arg10[%add3A_13, %dma_wait3A] : memref<10112x128xf32, #tpu.memory_space<vmem_shared>> -> memref<128x128xf32, #tpu.memory_space<vmem_shared>>
      %dma_wait3A_39 = arith.constant 0 : i32
      %dma_wait3A_40 = tpu.memref_slice %arg10[%add3A_13, %dma_wait3A_39] : memref<10112x128xf32, #tpu.memory_space<vmem_shared>> -> memref<128x128xf32, #tpu.memory_space<vmem_shared>>
      tpu.wait_dma2 semaphore(%run_scoped3A : memref<!tpu.dma_semaphore, #tpu.memory_space<semaphore_mem>>) src(%arg9 : memref<128x128xf32, #tpu.memory_space<vmem>>) dst(%dma_wait3A_40 : memref<128x128xf32, #tpu.memory_space<vmem_shared>>)
      tpu.yield
    }) : () -> ()
    %add3A_14 = arith.constant 512 : i32
    %add3A_15 = arith.addi %mul3A_6, %add3A_14 : i32
    "tpu.region"() ({
      %run_scoped3A = tpu.sem_alloc : memref<!tpu.dma_semaphore, #tpu.memory_space<semaphore_mem>>
      %dma_start3A = arith.constant 0 : i32
      %dma_start3A_35 = arith.constant 0 : i32
      %dma_start3A_36 = tpu.memref_slice %arg9[%dma_start3A, %dma_start3A_35] : memref<128x128xf32, #tpu.memory_space<vmem>> -> memref<120x128xf32, #tpu.memory_space<vmem>>
      %dma_start3A_37 = arith.constant 0 : i32
      %dma_start3A_38 = tpu.memref_slice %arg10[%add3A_15, %dma_start3A_37] : memref<10112x128xf32, #tpu.memory_space<vmem_shared>> -> memref<120x128xf32, #tpu.memory_space<vmem_shared>>
      %dma_start3A_39 = arith.constant 0 : i32
      %dma_start3A_40 = tpu.memref_slice %arg10[%add3A_15, %dma_start3A_39] : memref<10112x128xf32, #tpu.memory_space<vmem_shared>> -> memref<120x128xf32, #tpu.memory_space<vmem_shared>>
      %dma_start3A_41 = arith.constant 0 : i32
      %dma_start3A_42 = arith.constant 0 : i32
      %dma_start3A_43 = tpu.memref_slice %arg9[%dma_start3A_41, %dma_start3A_42] : memref<128x128xf32, #tpu.memory_space<vmem>> -> memref<120x128xf32, #tpu.memory_space<vmem>>
      tpu.enqueue_dma source(%dma_start3A_43 : memref<120x128xf32, #tpu.memory_space<vmem>>) target(%dma_start3A_40 : memref<120x128xf32, #tpu.memory_space<vmem_shared>>) target_semaphore(%run_scoped3A : memref<!tpu.dma_semaphore, #tpu.memory_space<semaphore_mem>>)
      %dma_wait3A = arith.constant 0 : i32
      %dma_wait3A_44 = arith.constant 0 : i32
      %dma_wait3A_45 = tpu.memref_slice %arg9[%dma_wait3A, %dma_wait3A_44] : memref<128x128xf32, #tpu.memory_space<vmem>> -> memref<120x128xf32, #tpu.memory_space<vmem>>
      %dma_wait3A_46 = arith.constant 0 : i32
      %dma_wait3A_47 = tpu.memref_slice %arg10[%add3A_15, %dma_wait3A_46] : memref<10112x128xf32, #tpu.memory_space<vmem_shared>> -> memref<120x128xf32, #tpu.memory_space<vmem_shared>>
      %dma_wait3A_48 = arith.constant 0 : i32
      %dma_wait3A_49 = tpu.memref_slice %arg10[%add3A_15, %dma_wait3A_48] : memref<10112x128xf32, #tpu.memory_space<vmem_shared>> -> memref<120x128xf32, #tpu.memory_space<vmem_shared>>
      %dma_wait3A_50 = arith.constant 0 : i32
      %dma_wait3A_51 = arith.constant 0 : i32
      %dma_wait3A_52 = tpu.memref_slice %arg9[%dma_wait3A_50, %dma_wait3A_51] : memref<128x128xf32, #tpu.memory_space<vmem>> -> memref<120x128xf32, #tpu.memory_space<vmem>>
      tpu.wait_dma2 semaphore(%run_scoped3A : memref<!tpu.dma_semaphore, #tpu.memory_space<semaphore_mem>>) src(%dma_wait3A_52 : memref<120x128xf32, #tpu.memory_space<vmem>>) dst(%dma_wait3A_49 : memref<120x128xf32, #tpu.memory_space<vmem_shared>>)
      tpu.yield
    }) : () -> ()
    %barrier3A = arith.constant 0 : index
    tpu.barrier barrier_id(%barrier3A)
    %mul3A_16 = arith.constant 2 : i32
    %mul3A_17 = arith.muli %arg1, %mul3A_16 : i32
    %add3A_18 = arith.addi %mul3A_17, %arg0 : i32
    %mul3A_19 = arith.constant 10240 : i32
    %mul3A_20 = arith.muli %add3A_18, %mul3A_19 : i32
    %multiple_of3A = tpu.assume_multiple %mul3A_20, 128 : i32
    %scan3A_21 = arith.constant 0 : i32
    %scan3A_22 = arith.constant 0 : i32
    %scan3A_23 = arith.constant 80 : i32
    %scan3A_24 = arith.addi %scan3A_22, %scan3A_23 : i32
    %scan3A_25 = arith.constant 1 : i32
    %scan3A_26 = scf.for %scan3A_35 = %scan3A_22 to %scan3A_24 step %scan3A_25 iter_args(%scan3A_36 = %scan3A_21) -> (i32)  : i32 {
      %mul3A_37 = arith.constant 128 : i32
      %mul3A_38 = arith.muli %scan3A_35, %mul3A_37 : i32
      %add3A_39 = arith.addi %multiple_of3A, %mul3A_38 : i32
      %multiple_of3A_40 = tpu.assume_multiple %add3A_39, 128 : i32
      %run_scoped3A = arith.constant 0 : i32
      "tpu.region"() ({
        %run_scoped3A_67 = tpu.sem_alloc : memref<!tpu.dma_semaphore, #tpu.memory_space<semaphore_mem>>
        %dma_start3A_68 = arith.constant 0 : i32
        %dma_start3A_69 = tpu.memref_slice %arg6[%run_scoped3A, %dma_start3A_68] : memref<2x128xi32, #tpu.memory_space<vmem>> -> memref<1x128xi32, #tpu.memory_space<vmem>>
        %dma_start3A_70 = tpu.memref_squeeze %dma_start3A_69 : memref<1x128xi32, #tpu.memory_space<vmem>> -> memref<128xi32, #tpu.memory_space<vmem>>
        %dma_start3A_71 = tpu.memref_slice %arg3[%multiple_of3A_40] : memref<327680xi32, #tpu.memory_space<hbm>> -> memref<128xi32, #tpu.memory_space<hbm>>
        %dma_start3A_72 = arith.constant 0 : i32
        %dma_start3A_73 = tpu.memref_slice %arg6[%run_scoped3A, %dma_start3A_72] : memref<2x128xi32, #tpu.memory_space<vmem>> -> memref<1x128xi32, #tpu.memory_space<vmem>>
        %dma_start3A_74 = tpu.memref_squeeze %dma_start3A_73 : memref<1x128xi32, #tpu.memory_space<vmem>> -> memref<128xi32, #tpu.memory_space<vmem>>
        %dma_start3A_75 = tpu.memref_slice %arg3[%multiple_of3A_40] : memref<327680xi32, #tpu.memory_space<hbm>> -> memref<128xi32, #tpu.memory_space<hbm>>
        tpu.enqueue_dma source(%dma_start3A_75 : memref<128xi32, #tpu.memory_space<hbm>>) target(%dma_start3A_74 : memref<128xi32, #tpu.memory_space<vmem>>) target_semaphore(%run_scoped3A_67 : memref<!tpu.dma_semaphore, #tpu.memory_space<semaphore_mem>>)
        %dma_wait3A_76 = arith.constant 0 : i32
        %dma_wait3A_77 = tpu.memref_slice %arg6[%run_scoped3A, %dma_wait3A_76] : memref<2x128xi32, #tpu.memory_space<vmem>> -> memref<1x128xi32, #tpu.memory_space<vmem>>
        %dma_wait3A_78 = tpu.memref_squeeze %dma_wait3A_77 : memref<1x128xi32, #tpu.memory_space<vmem>> -> memref<128xi32, #tpu.memory_space<vmem>>
        %dma_wait3A_79 = tpu.memref_slice %arg3[%multiple_of3A_40] : memref<327680xi32, #tpu.memory_space<hbm>> -> memref<128xi32, #tpu.memory_space<hbm>>
        %dma_wait3A_80 = arith.constant 0 : i32
        %dma_wait3A_81 = tpu.memref_slice %arg6[%run_scoped3A, %dma_wait3A_80] : memref<2x128xi32, #tpu.memory_space<vmem>> -> memref<1x128xi32, #tpu.memory_space<vmem>>
        %dma_wait3A_82 = tpu.memref_squeeze %dma_wait3A_81 : memref<1x128xi32, #tpu.memory_space<vmem>> -> memref<128xi32, #tpu.memory_space<vmem>>
        %dma_wait3A_83 = tpu.memref_slice %arg3[%multiple_of3A_40] : memref<327680xi32, #tpu.memory_space<hbm>> -> memref<128xi32, #tpu.memory_space<hbm>>
        tpu.wait_dma2 semaphore(%run_scoped3A_67 : memref<!tpu.dma_semaphore, #tpu.memory_space<semaphore_mem>>) src(%dma_wait3A_83 : memref<128xi32, #tpu.memory_space<hbm>>) dst(%dma_wait3A_82 : memref<128xi32, #tpu.memory_space<vmem>>)
        tpu.yield
      }) : () -> ()
      %run_scoped3A_41 = arith.constant 0 : i32
      "tpu.region"() ({
        %run_scoped3A_67 = tpu.sem_alloc : memref<!tpu.dma_semaphore, #tpu.memory_space<semaphore_mem>>
        %dma_start3A_68 = arith.constant 0 : i32
        %dma_start3A_69 = tpu.memref_slice %arg7[%run_scoped3A_41, %dma_start3A_68] : memref<2x128xi32, #tpu.memory_space<vmem>> -> memref<1x128xi32, #tpu.memory_space<vmem>>
        %dma_start3A_70 = tpu.memref_squeeze %dma_start3A_69 : memref<1x128xi32, #tpu.memory_space<vmem>> -> memref<128xi32, #tpu.memory_space<vmem>>
        %dma_start3A_71 = tpu.memref_slice %arg4[%multiple_of3A_40] : memref<327680xi32, #tpu.memory_space<hbm>> -> memref<128xi32, #tpu.memory_space<hbm>>
        %dma_start3A_72 = arith.constant 0 : i32
        %dma_start3A_73 = tpu.memref_slice %arg7[%run_scoped3A_41, %dma_start3A_72] : memref<2x128xi32, #tpu.memory_space<vmem>> -> memref<1x128xi32, #tpu.memory_space<vmem>>
        %dma_start3A_74 = tpu.memref_squeeze %dma_start3A_73 : memref<1x128xi32, #tpu.memory_space<vmem>> -> memref<128xi32, #tpu.memory_space<vmem>>
        %dma_start3A_75 = tpu.memref_slice %arg4[%multiple_of3A_40] : memref<327680xi32, #tpu.memory_space<hbm>> -> memref<128xi32, #tpu.memory_space<hbm>>
        tpu.enqueue_dma source(%dma_start3A_75 : memref<128xi32, #tpu.memory_space<hbm>>) target(%dma_start3A_74 : memref<128xi32, #tpu.memory_space<vmem>>) target_semaphore(%run_scoped3A_67 : memref<!tpu.dma_semaphore, #tpu.memory_space<semaphore_mem>>)
        %dma_wait3A_76 = arith.constant 0 : i32
        %dma_wait3A_77 = tpu.memref_slice %arg7[%run_scoped3A_41, %dma_wait3A_76] : memref<2x128xi32, #tpu.memory_space<vmem>> -> memref<1x128xi32, #tpu.memory_space<vmem>>
        %dma_wait3A_78 = tpu.memref_squeeze %dma_wait3A_77 : memref<1x128xi32, #tpu.memory_space<vmem>> -> memref<128xi32, #tpu.memory_space<vmem>>
        %dma_wait3A_79 = tpu.memref_slice %arg4[%multiple_of3A_40] : memref<327680xi32, #tpu.memory_space<hbm>> -> memref<128xi32, #tpu.memory_space<hbm>>
        %dma_wait3A_80 = arith.constant 0 : i32
        %dma_wait3A_81 = tpu.memref_slice %arg7[%run_scoped3A_41, %dma_wait3A_80] : memref<2x128xi32, #tpu.memory_space<vmem>> -> memref<1x128xi32, #tpu.memory_space<vmem>>
        %dma_wait3A_82 = tpu.memref_squeeze %dma_wait3A_81 : memref<1x128xi32, #tpu.memory_space<vmem>> -> memref<128xi32, #tpu.memory_space<vmem>>
        %dma_wait3A_83 = tpu.memref_slice %arg4[%multiple_of3A_40] : memref<327680xi32, #tpu.memory_space<hbm>> -> memref<128xi32, #tpu.memory_space<hbm>>
        tpu.wait_dma2 semaphore(%run_scoped3A_67 : memref<!tpu.dma_semaphore, #tpu.memory_space<semaphore_mem>>) src(%dma_wait3A_83 : memref<128xi32, #tpu.memory_space<hbm>>) dst(%dma_wait3A_82 : memref<128xi32, #tpu.memory_space<vmem>>)
        tpu.yield
      }) : () -> ()
      %dma_start3A = arith.constant 0 : i32
      %dma_start3A_42 = arith.constant 0 : i32
      %dma_start3A_43 = arith.constant 0 : i32
      %dma_start3A_44 = arith.constant 0 : i32
      %dma_start3A_45 = tpu.memref_slice %arg8[%dma_start3A_42, %dma_start3A_43, %dma_start3A_44] : memref<2x128x128xf32, #tpu.memory_space<vmem>> -> memref<1x128x128xf32, #tpu.memory_space<vmem>>
      %dma_start3A_46 = tpu.memref_squeeze %dma_start3A_45 : memref<1x128x128xf32, #tpu.memory_space<vmem>> -> memref<128x128xf32, #tpu.memory_space<vmem>>
      %dma_start3A_47 = arith.constant 0 : i32
      %dma_start3A_48 = tpu.memref_slice %arg6[%dma_start3A, %dma_start3A_47] : memref<2x128xi32, #tpu.memory_space<vmem>> -> memref<1x128xi32, #tpu.memory_space<vmem>>
      %dma_start3A_49 = tpu.memref_squeeze %dma_start3A_48 : memref<1x128xi32, #tpu.memory_space<vmem>> -> memref<128xi32, #tpu.memory_space<vmem>>
      %dma_start3A_50 = arith.constant 0 : i32
      %dma_start3A_51 = arith.constant 0 : i32
      %dma_start3A_52 = tpu.memref_slice %arg2[%dma_start3A_50, %dma_start3A_51] : memref<10000x128xf32, #tpu.memory_space<hbm>> -> memref<10000x128xf32, #tpu.memory_space<hbm>>
      tpu.enqueue_indirect_dma source(%dma_start3A_52 : memref<10000x128xf32, #tpu.memory_space<hbm>>) target(%dma_start3A_46 : memref<128x128xf32, #tpu.memory_space<vmem>>) offsets(%dma_start3A_49 : memref<128xi32, #tpu.memory_space<vmem>>) semaphore(%arg11 : memref<!tpu.dma_semaphore, #tpu.memory_space<semaphore_mem>>)
      %dma_wait3A = arith.constant 0 : i32
      %dma_wait3A_53 = arith.constant 0 : i32
      %dma_wait3A_54 = arith.constant 0 : i32
      %dma_wait3A_55 = arith.constant 0 : i32
      %dma_wait3A_56 = tpu.memref_slice %arg8[%dma_wait3A_53, %dma_wait3A_54, %dma_wait3A_55] : memref<2x128x128xf32, #tpu.memory_space<vmem>> -> memref<1x128x128xf32, #tpu.memory_space<vmem>>
      %dma_wait3A_57 = tpu.memref_squeeze %dma_wait3A_56 : memref<1x128x128xf32, #tpu.memory_space<vmem>> -> memref<128x128xf32, #tpu.memory_space<vmem>>
      %dma_wait3A_58 = arith.constant 0 : i32
      %dma_wait3A_59 = tpu.memref_slice %arg6[%dma_wait3A, %dma_wait3A_58] : memref<2x128xi32, #tpu.memory_space<vmem>> -> memref<1x128xi32, #tpu.memory_space<vmem>>
      %dma_wait3A_60 = tpu.memref_squeeze %dma_wait3A_59 : memref<1x128xi32, #tpu.memory_space<vmem>> -> memref<128xi32, #tpu.memory_space<vmem>>
      %dma_wait3A_61 = arith.constant 0 : i32
      %dma_wait3A_62 = arith.constant 0 : i32
      %dma_wait3A_63 = tpu.memref_slice %arg2[%dma_wait3A_61, %dma_wait3A_62] : memref<10000x128xf32, #tpu.memory_space<hbm>> -> memref<10000x128xf32, #tpu.memory_space<hbm>>
      tpu.wait_indirect_dma semaphore(%arg11 : memref<!tpu.dma_semaphore, #tpu.memory_space<semaphore_mem>>) src(%dma_wait3A_63 : memref<10000x128xf32, #tpu.memory_space<hbm>>) dst(%dma_wait3A_57 : memref<128x128xf32, #tpu.memory_space<vmem>>)
      %run_scoped3A_64 = arith.constant 0 : i32
      %run_scoped3A_65 = arith.constant 0 : i32
      "tpu.region"() ({
        %run_scoped3A_67 = tpu.sem_alloc : memref<!tpu.dma_semaphore, #tpu.memory_space<semaphore_mem>>
        %dma_start3A_68 = arith.constant 0 : i32
        %dma_start3A_69 = arith.constant 0 : i32
        %dma_start3A_70 = tpu.memref_slice %arg8[%run_scoped3A_64, %dma_start3A_68, %dma_start3A_69] : memref<2x128x128xf32, #tpu.memory_space<vmem>> -> memref<1x128x128xf32, #tpu.memory_space<vmem>>
        %dma_start3A_71 = tpu.memref_squeeze %dma_start3A_70 : memref<1x128x128xf32, #tpu.memory_space<vmem>> -> memref<128x128xf32, #tpu.memory_space<vmem>>
        %dma_start3A_72 = arith.constant 0 : i32
        %dma_start3A_73 = tpu.memref_slice %arg7[%run_scoped3A_65, %dma_start3A_72] : memref<2x128xi32, #tpu.memory_space<vmem>> -> memref<1x128xi32, #tpu.memory_space<vmem>>
        %dma_start3A_74 = tpu.memref_squeeze %dma_start3A_73 : memref<1x128xi32, #tpu.memory_space<vmem>> -> memref<128xi32, #tpu.memory_space<vmem>>
        %dma_start3A_75 = arith.constant 0 : i32
        %dma_start3A_76 = arith.constant 0 : i32
        %dma_start3A_77 = tpu.memref_slice %arg10[%dma_start3A_75, %dma_start3A_76] : memref<10112x128xf32, #tpu.memory_space<vmem_shared>> -> memref<10112x128xf32, #tpu.memory_space<vmem_shared>>
        tpu.enqueue_indirect_dma source(%dma_start3A_71 : memref<128x128xf32, #tpu.memory_space<vmem>>) target(%dma_start3A_77 : memref<10112x128xf32, #tpu.memory_space<vmem_shared>>) offsets(%dma_start3A_74 : memref<128xi32, #tpu.memory_space<vmem>>) semaphore(%run_scoped3A_67 : memref<!tpu.dma_semaphore, #tpu.memory_space<semaphore_mem>>) {add = true}
        %dma_wait3A_78 = arith.constant 0 : i32
        %dma_wait3A_79 = arith.constant 0 : i32
        %dma_wait3A_80 = tpu.memref_slice %arg8[%run_scoped3A_64, %dma_wait3A_78, %dma_wait3A_79] : memref<2x128x128xf32, #tpu.memory_space<vmem>> -> memref<1x128x128xf32, #tpu.memory_space<vmem>>
        %dma_wait3A_81 = tpu.memref_squeeze %dma_wait3A_80 : memref<1x128x128xf32, #tpu.memory_space<vmem>> -> memref<128x128xf32, #tpu.memory_space<vmem>>
        %dma_wait3A_82 = arith.constant 0 : i32
        %dma_wait3A_83 = tpu.memref_slice %arg7[%run_scoped3A_65, %dma_wait3A_82] : memref<2x128xi32, #tpu.memory_space<vmem>> -> memref<1x128xi32, #tpu.memory_space<vmem>>
        %dma_wait3A_84 = tpu.memref_squeeze %dma_wait3A_83 : memref<1x128xi32, #tpu.memory_space<vmem>> -> memref<128xi32, #tpu.memory_space<vmem>>
        %dma_wait3A_85 = arith.constant 0 : i32
        %dma_wait3A_86 = arith.constant 0 : i32
        %dma_wait3A_87 = tpu.memref_slice %arg10[%dma_wait3A_85, %dma_wait3A_86] : memref<10112x128xf32, #tpu.memory_space<vmem_shared>> -> memref<10112x128xf32, #tpu.memory_space<vmem_shared>>
        tpu.wait_indirect_dma semaphore(%run_scoped3A_67 : memref<!tpu.dma_semaphore, #tpu.memory_space<semaphore_mem>>) src(%dma_wait3A_81 : memref<128x128xf32, #tpu.memory_space<vmem>>) dst(%dma_wait3A_87 : memref<10112x128xf32, #tpu.memory_space<vmem_shared>>)
        tpu.yield
      }) : () -> ()
      %scan3A_66 = arith.constant 0 : i32
      scf.yield %scan3A_66 : i32
    }
    %scan3A_27 = arith.constant 80 : i32
    %barrier3A_28 = arith.constant 0 : index
    tpu.barrier barrier_id(%barrier3A_28)
    %lt3A = arith.constant 15 : i32
    %lt3A_29 = arith.cmpi slt, %arg1, %lt3A : i32
    %convert_element_type3A = arith.extui %lt3A_29 : i1 to i32
    %cond3A = arith.constant 0 : i32
    %cond3A_30 = arith.cmpi ne, %convert_element_type3A, %cond3A : i32
    scf.if %cond3A_30 {
      %mul3A_35 = arith.constant 624 : i32
      %mul3A_36 = arith.muli %arg1, %mul3A_35 : i32
      %mul3A_37 = arith.constant 624 : i32
      %mul3A_38 = arith.muli %arg1, %mul3A_37 : i32
      "tpu.region"() ({
        %run_scoped3A = tpu.sem_alloc : memref<!tpu.dma_semaphore, #tpu.memory_space<semaphore_mem>>
        %dma_start3A = arith.constant 0 : i32
        %dma_start3A_39 = tpu.memref_slice %arg5[%arg0, %mul3A_38, %dma_start3A] : memref<2x10000x128xf32, #tpu.memory_space<hbm>> -> memref<1x624x128xf32, #tpu.memory_space<hbm>>
        %dma_start3A_40 = tpu.memref_squeeze %dma_start3A_39 : memref<1x624x128xf32, #tpu.memory_space<hbm>> -> memref<624x128xf32, #tpu.memory_space<hbm>>
        %dma_start3A_41 = arith.constant 0 : i32
        %dma_start3A_42 = tpu.memref_slice %arg10[%mul3A_36, %dma_start3A_41] : memref<10112x128xf32, #tpu.memory_space<vmem_shared>> -> memref<624x128xf32, #tpu.memory_space<vmem_shared>>
        tpu.enqueue_dma source(%dma_start3A_42 : memref<624x128xf32, #tpu.memory_space<vmem_shared>>) target(%dma_start3A_40 : memref<624x128xf32, #tpu.memory_space<hbm>>) target_semaphore(%run_scoped3A : memref<!tpu.dma_semaphore, #tpu.memory_space<semaphore_mem>>)
        %dma_wait3A = arith.constant 0 : i32
        %dma_wait3A_43 = tpu.memref_slice %arg5[%arg0, %mul3A_38, %dma_wait3A] : memref<2x10000x128xf32, #tpu.memory_space<hbm>> -> memref<1x624x128xf32, #tpu.memory_space<hbm>>
        %dma_wait3A_44 = tpu.memref_squeeze %dma_wait3A_43 : memref<1x624x128xf32, #tpu.memory_space<hbm>> -> memref<624x128xf32, #tpu.memory_space<hbm>>
        %dma_wait3A_45 = arith.constant 0 : i32
        %dma_wait3A_46 = tpu.memref_slice %arg10[%mul3A_36, %dma_wait3A_45] : memref<10112x128xf32, #tpu.memory_space<vmem_shared>> -> memref<624x128xf32, #tpu.memory_space<vmem_shared>>
        tpu.wait_dma2 semaphore(%run_scoped3A : memref<!tpu.dma_semaphore, #tpu.memory_space<semaphore_mem>>) src(%dma_wait3A_46 : memref<624x128xf32, #tpu.memory_space<vmem_shared>>) dst(%dma_wait3A_44 : memref<624x128xf32, #tpu.memory_space<hbm>>)
        tpu.yield
      }) : () -> ()
    } else {
    }
    %eq3A = arith.constant 15 : i32
    %eq3A_31 = arith.cmpi eq, %arg1, %eq3A : i32
    %convert_element_type3A_32 = arith.extui %eq3A_31 : i1 to i32
    %cond3A_33 = arith.constant 0 : i32
    %cond3A_34 = arith.cmpi ne, %convert_element_type3A_32, %cond3A_33 : i32
    scf.if %cond3A_34 {
      "tpu.region"() ({
        %run_scoped3A = tpu.sem_alloc : memref<!tpu.dma_semaphore, #tpu.memory_space<semaphore_mem>>
        %dma_start3A = arith.constant 9360 : i32
        %dma_start3A_35 = arith.constant 0 : i32
        %dma_start3A_36 = tpu.memref_slice %arg5[%arg0, %dma_start3A, %dma_start3A_35] : memref<2x10000x128xf32, #tpu.memory_space<hbm>> -> memref<1x640x128xf32, #tpu.memory_space<hbm>>
        %dma_start3A_37 = tpu.memref_squeeze %dma_start3A_36 : memref<1x640x128xf32, #tpu.memory_space<hbm>> -> memref<640x128xf32, #tpu.memory_space<hbm>>
        %dma_start3A_38 = arith.constant 9360 : i32
        %dma_start3A_39 = arith.constant 0 : i32
        %dma_start3A_40 = tpu.memref_slice %arg10[%dma_start3A_38, %dma_start3A_39] : memref<10112x128xf32, #tpu.memory_space<vmem_shared>> -> memref<640x128xf32, #tpu.memory_space<vmem_shared>>
        tpu.enqueue_dma source(%dma_start3A_40 : memref<640x128xf32, #tpu.memory_space<vmem_shared>>) target(%dma_start3A_37 : memref<640x128xf32, #tpu.memory_space<hbm>>) target_semaphore(%run_scoped3A : memref<!tpu.dma_semaphore, #tpu.memory_space<semaphore_mem>>)
        %dma_wait3A = arith.constant 9360 : i32
        %dma_wait3A_41 = arith.constant 0 : i32
        %dma_wait3A_42 = tpu.memref_slice %arg5[%arg0, %dma_wait3A, %dma_wait3A_41] : memref<2x10000x128xf32, #tpu.memory_space<hbm>> -> memref<1x640x128xf32, #tpu.memory_space<hbm>>
        %dma_wait3A_43 = tpu.memref_squeeze %dma_wait3A_42 : memref<1x640x128xf32, #tpu.memory_space<hbm>> -> memref<640x128xf32, #tpu.memory_space<hbm>>
        %dma_wait3A_44 = arith.constant 9360 : i32
        %dma_wait3A_45 = arith.constant 0 : i32
        %dma_wait3A_46 = tpu.memref_slice %arg10[%dma_wait3A_44, %dma_wait3A_45] : memref<10112x128xf32, #tpu.memory_space<vmem_shared>> -> memref<640x128xf32, #tpu.memory_space<vmem_shared>>
        tpu.wait_dma2 semaphore(%run_scoped3A : memref<!tpu.dma_semaphore, #tpu.memory_space<semaphore_mem>>) src(%dma_wait3A_46 : memref<640x128xf32, #tpu.memory_space<vmem_shared>>) dst(%dma_wait3A_43 : memref<640x128xf32, #tpu.memory_space<hbm>>)
        tpu.yield
      }) : () -> ()
    } else {
    }
    return
  }
}

#map = affine_map<(d0, d1) -> (0, 0)>
#map1 = affine_map<(d0, d1) -> (0)>
#map2 = affine_map<(d0, d1) -> (0, 0, 0)>
module attributes {stable_mosaic.version = 14 : i64} {
  func.func @_aggr_body(%arg0: i32, %arg1: i32, %arg2: memref<10000x128xf32, #tpu.memory_space<hbm>>, %arg3: memref<327680xi32, #tpu.memory_space<hbm>>, %arg4: memref<327680xi32, #tpu.memory_space<hbm>>, %arg5: memref<2x10000x128xf32, #tpu.memory_space<hbm>>, %arg6: memref<2x128xi32, #tpu.memory_space<vmem>>, %arg7: memref<2x128xi32, #tpu.memory_space<vmem>>, %arg8: memref<2x128x128xf32, #tpu.memory_space<vmem>>, %arg9: memref<128x128xf32, #tpu.memory_space<vmem>>, %arg10: memref<10112x128xf32, #tpu.memory_space<vmem_shared>>, %arg11: memref<!tpu.dma_semaphore, #tpu.memory_space<semaphore_mem>>, %arg12: memref<!tpu.dma_semaphore, #tpu.memory_space<semaphore_mem>>, %arg13: memref<!tpu.dma_semaphore, #tpu.memory_space<semaphore_mem>>, %arg14: memref<!tpu.dma_semaphore, #tpu.memory_space<semaphore_mem>>) attributes {dimension_semantics = [#tpu.dimension_semantics<core_parallel>, #tpu.dimension_semantics<subcore_parallel>], iteration_bounds = array<i64: 2, 16>, scalar_prefetch = 0 : i64, scratch_operands = 9 : i64, tpu.core_type = #tpu.core_type<sc_vector_subcore>, window_params = [{transform_indices = #map}, {transform_indices = #map1}, {transform_indices = #map1}, {transform_indices = #map2}]} {
    %scan3A = arith.constant 0 : i32
    %scan3A_0 = arith.constant 0 : i32
    %scan3A_1 = arith.constant 1024 : i32
    %scan3A_2 = arith.addi %scan3A_0, %scan3A_1 : i32
    %scan3A_3 = arith.constant 1 : i32
    %scan3A_4 = scf.for %scan3A_35 = %scan3A_0 to %scan3A_2 step %scan3A_3 iter_args(%scan3A_36 = %scan3A) -> (i32)  : i32 {
      %jit3A = arith.constant 8 : i32
      %div3A = arith.divsi %scan3A_35, %jit3A : i32
      %sign3A = arith.constant 0 : i32
      %sign3A_37 = arith.cmpi sgt, %scan3A_35, %sign3A : i32
      %sign3A_38 = arith.extui %sign3A_37 : i1 to i32
      %sign3A_39 = arith.constant 0 : i32
      %sign3A_40 = arith.cmpi slt, %scan3A_35, %sign3A_39 : i32
      %sign3A_41 = arith.extui %sign3A_40 : i1 to i32
      %sign3A_42 = arith.subi %sign3A_38, %sign3A_41 : i32
      %sign3A_43 = arith.constant 0 : i32
      %sign3A_44 = arith.cmpi sgt, %jit3A, %sign3A_43 : i32
      %sign3A_45 = arith.extui %sign3A_44 : i1 to i32
      %sign3A_46 = arith.constant 0 : i32
      %sign3A_47 = arith.cmpi slt, %jit3A, %sign3A_46 : i32
      %sign3A_48 = arith.extui %sign3A_47 : i1 to i32
      %sign3A_49 = arith.subi %sign3A_45, %sign3A_48 : i32
      %ne3A = arith.cmpi ne, %sign3A_42, %sign3A_49 : i32
      %rem3A = arith.remsi %scan3A_35, %jit3A : i32
      %ne3A_50 = arith.constant 0 : i32
      %ne3A_51 = arith.cmpi ne, %rem3A, %ne3A_50 : i32
      %and3A = arith.andi %ne3A, %ne3A_51 : i1
      %sub3A = arith.constant 1 : i32
      %sub3A_52 = arith.subi %div3A, %sub3A : i32
      %select_n3A = arith.select %and3A, %sub3A_52, %div3A : i32
      %rem3A_53 = arith.constant 8 : i32
      %rem3A_54 = arith.remsi %scan3A_35, %rem3A_53 : i32
      %broadcast_in_dim3A = arith.constant 0.000000e+00 : f32
      %broadcast_in_dim3A_55 = vector.broadcast %broadcast_in_dim3A : f32 to vector<16xf32>
      %mul3A_56 = arith.constant 16 : i32
      %mul3A_57 = arith.muli %rem3A_54, %mul3A_56 : i32
      %swap3A = arith.index_cast %select_n3A : i32 to index
      %swap3A_58 = arith.index_cast %mul3A_57 : i32 to index
      %swap3A_59 = tpu.vector_load %arg9[%swap3A, %swap3A_58] {strides = array<i32>} : memref<128x128xf32, #tpu.memory_space<vmem>>, vector<1x16xf32>,
      %swap3A_60 = vector.shape_cast %swap3A_59 : vector<1x16xf32> to vector<16xf32>
      %swap3A_61 = vector.shape_cast %broadcast_in_dim3A_55 : vector<16xf32> to vector<1x16xf32>
      tpu.vector_store %arg9[%swap3A, %swap3A_58], %swap3A_61 {strides = array<i32>} : memref<128x128xf32, #tpu.memory_space<vmem>>, vector<1x16xf32>,
      %scan3A_62 = arith.constant 0 : i32
      scf.yield %scan3A_62 : i32
    }
    %scan3A_5 = arith.constant 1024 : i32
    %mul3A = arith.constant 632 : i32
    %mul3A_6 = arith.muli %arg1, %mul3A : i32
    %add3A = arith.constant 0 : i32
    %add3A_7 = arith.addi %mul3A_6, %add3A : i32
    "tpu.region"() ({
      %run_scoped3A = tpu.sem_alloc : memref<!tpu.dma_semaphore, #tpu.memory_space<semaphore_mem>>
      %dma_start3A = arith.constant 0 : i32
      %dma_start3A_35 = tpu.memref_slice %arg10[%add3A_7, %dma_start3A] : memref<10112x128xf32, #tpu.memory_space<vmem_shared>> -> memref<128x128xf32, #tpu.memory_space<vmem_shared>>
      %dma_start3A_36 = arith.constant 0 : i32
      %dma_start3A_37 = tpu.memref_slice %arg10[%add3A_7, %dma_start3A_36] : memref<10112x128xf32, #tpu.memory_space<vmem_shared>> -> memref<128x128xf32, #tpu.memory_space<vmem_shared>>
      tpu.enqueue_dma source(%arg9 : memref<128x128xf32, #tpu.memory_space<vmem>>) target(%dma_start3A_37 : memref<128x128xf32, #tpu.memory_space<vmem_shared>>) target_semaphore(%run_scoped3A : memref<!tpu.dma_semaphore, #tpu.memory_space<semaphore_mem>>)
      %dma_wait3A = arith.constant 0 : i32
      %dma_wait3A_38 = tpu.memref_slice %arg10[%add3A_7, %dma_wait3A] : memref<10112x128xf32, #tpu.memory_space<vmem_shared>> -> memref<128x128xf32, #tpu.memory_space<vmem_shared>>
      %dma_wait3A_39 = arith.constant 0 : i32
      %dma_wait3A_40 = tpu.memref_slice %arg10[%add3A_7, %dma_wait3A_39] : memref<10112x128xf32, #tpu.memory_space<vmem_shared>> -> memref<128x128xf32, #tpu.memory_space<vmem_shared>>
      tpu.wait_dma2 semaphore(%run_scoped3A : memref<!tpu.dma_semaphore, #tpu.memory_space<semaphore_mem>>) src(%arg9 : memref<128x128xf32, #tpu.memory_space<vmem>>) dst(%dma_wait3A_40 : memref<128x128xf32, #tpu.memory_space<vmem_shared>>)
      tpu.yield
    }) : () -> ()
    %add3A_8 = arith.constant 128 : i32
    %add3A_9 = arith.addi %mul3A_6, %add3A_8 : i32
    "tpu.region"() ({
      %run_scoped3A = tpu.sem_alloc : memref<!tpu.dma_semaphore, #tpu.memory_space<semaphore_mem>>
      %dma_start3A = arith.constant 0 : i32
      %dma_start3A_35 = tpu.memref_slice %arg10[%add3A_9, %dma_start3A] : memref<10112x128xf32, #tpu.memory_space<vmem_shared>> -> memref<128x128xf32, #tpu.memory_space<vmem_shared>>
      %dma_start3A_36 = arith.constant 0 : i32
      %dma_start3A_37 = tpu.memref_slice %arg10[%add3A_9, %dma_start3A_36] : memref<10112x128xf32, #tpu.memory_space<vmem_shared>> -> memref<128x128xf32, #tpu.memory_space<vmem_shared>>
      tpu.enqueue_dma source(%arg9 : memref<128x128xf32, #tpu.memory_space<vmem>>) target(%dma_start3A_37 : memref<128x128xf32, #tpu.memory_space<vmem_shared>>) target_semaphore(%run_scoped3A : memref<!tpu.dma_semaphore, #tpu.memory_space<semaphore_mem>>)
      %dma_wait3A = arith.constant 0 : i32
      %dma_wait3A_38 = tpu.memref_slice %arg10[%add3A_9, %dma_wait3A] : memref<10112x128xf32, #tpu.memory_space<vmem_shared>> -> memref<128x128xf32, #tpu.memory_space<vmem_shared>>
      %dma_wait3A_39 = arith.constant 0 : i32
      %dma_wait3A_40 = tpu.memref_slice %arg10[%add3A_9, %dma_wait3A_39] : memref<10112x128xf32, #tpu.memory_space<vmem_shared>> -> memref<128x128xf32, #tpu.memory_space<vmem_shared>>
      tpu.wait_dma2 semaphore(%run_scoped3A : memref<!tpu.dma_semaphore, #tpu.memory_space<semaphore_mem>>) src(%arg9 : memref<128x128xf32, #tpu.memory_space<vmem>>) dst(%dma_wait3A_40 : memref<128x128xf32, #tpu.memory_space<vmem_shared>>)
      tpu.yield
    }) : () -> ()
    %add3A_10 = arith.constant 256 : i32
    %add3A_11 = arith.addi %mul3A_6, %add3A_10 : i32
    "tpu.region"() ({
      %run_scoped3A = tpu.sem_alloc : memref<!tpu.dma_semaphore, #tpu.memory_space<semaphore_mem>>
      %dma_start3A = arith.constant 0 : i32
      %dma_start3A_35 = tpu.memref_slice %arg10[%add3A_11, %dma_start3A] : memref<10112x128xf32, #tpu.memory_space<vmem_shared>> -> memref<128x128xf32, #tpu.memory_space<vmem_shared>>
      %dma_start3A_36 = arith.constant 0 : i32
      %dma_start3A_37 = tpu.memref_slice %arg10[%add3A_11, %dma_start3A_36] : memref<10112x128xf32, #tpu.memory_space<vmem_shared>> -> memref<128x128xf32, #tpu.memory_space<vmem_shared>>
      tpu.enqueue_dma source(%arg9 : memref<128x128xf32, #tpu.memory_space<vmem>>) target(%dma_start3A_37 : memref<128x128xf32, #tpu.memory_space<vmem_shared>>) target_semaphore(%run_scoped3A : memref<!tpu.dma_semaphore, #tpu.memory_space<semaphore_mem>>)
      %dma_wait3A = arith.constant 0 : i32
      %dma_wait3A_38 = tpu.memref_slice %arg10[%add3A_11, %dma_wait3A] : memref<10112x128xf32, #tpu.memory_space<vmem_shared>> -> memref<128x128xf32, #tpu.memory_space<vmem_shared>>
      %dma_wait3A_39 = arith.constant 0 : i32
      %dma_wait3A_40 = tpu.memref_slice %arg10[%add3A_11, %dma_wait3A_39] : memref<10112x128xf32, #tpu.memory_space<vmem_shared>> -> memref<128x128xf32, #tpu.memory_space<vmem_shared>>
      tpu.wait_dma2 semaphore(%run_scoped3A : memref<!tpu.dma_semaphore, #tpu.memory_space<semaphore_mem>>) src(%arg9 : memref<128x128xf32, #tpu.memory_space<vmem>>) dst(%dma_wait3A_40 : memref<128x128xf32, #tpu.memory_space<vmem_shared>>)
      tpu.yield
    }) : () -> ()
    %add3A_12 = arith.constant 384 : i32
    %add3A_13 = arith.addi %mul3A_6, %add3A_12 : i32
    "tpu.region"() ({
      %run_scoped3A = tpu.sem_alloc : memref<!tpu.dma_semaphore, #tpu.memory_space<semaphore_mem>>
      %dma_start3A = arith.constant 0 : i32
      %dma_start3A_35 = tpu.memref_slice %arg10[%add3A_13, %dma_start3A] : memref<10112x128xf32, #tpu.memory_space<vmem_shared>> -> memref<128x128xf32, #tpu.memory_space<vmem_shared>>
      %dma_start3A_36 = arith.constant 0 : i32
      %dma_start3A_37 = tpu.memref_slice %arg10[%add3A_13, %dma_start3A_36] : memref<10112x128xf32, #tpu.memory_space<vmem_shared>> -> memref<128x128xf32, #tpu.memory_space<vmem_shared>>
      tpu.enqueue_dma source(%arg9 : memref<128x128xf32, #tpu.memory_space<vmem>>) target(%dma_start3A_37 : memref<128x128xf32, #tpu.memory_space<vmem_shared>>) target_semaphore(%run_scoped3A : memref<!tpu.dma_semaphore, #tpu.memory_space<semaphore_mem>>)
      %dma_wait3A = arith.constant 0 : i32
      %dma_wait3A_38 = tpu.memref_slice %arg10[%add3A_13, %dma_wait3A] : memref<10112x128xf32, #tpu.memory_space<vmem_shared>> -> memref<128x128xf32, #tpu.memory_space<vmem_shared>>
      %dma_wait3A_39 = arith.constant 0 : i32
      %dma_wait3A_40 = tpu.memref_slice %arg10[%add3A_13, %dma_wait3A_39] : memref<10112x128xf32, #tpu.memory_space<vmem_shared>> -> memref<128x128xf32, #tpu.memory_space<vmem_shared>>
      tpu.wait_dma2 semaphore(%run_scoped3A : memref<!tpu.dma_semaphore, #tpu.memory_space<semaphore_mem>>) src(%arg9 : memref<128x128xf32, #tpu.memory_space<vmem>>) dst(%dma_wait3A_40 : memref<128x128xf32, #tpu.memory_space<vmem_shared>>)
      tpu.yield
    }) : () -> ()
    %add3A_14 = arith.constant 512 : i32
    %add3A_15 = arith.addi %mul3A_6, %add3A_14 : i32
    "tpu.region"() ({
      %run_scoped3A = tpu.sem_alloc : memref<!tpu.dma_semaphore, #tpu.memory_space<semaphore_mem>>
      %dma_start3A = arith.constant 0 : i32
      %dma_start3A_35 = arith.constant 0 : i32
      %dma_start3A_36 = tpu.memref_slice %arg9[%dma_start3A, %dma_start3A_35] : memref<128x128xf32, #tpu.memory_space<vmem>> -> memref<120x128xf32, #tpu.memory_space<vmem>>
      %dma_start3A_37 = arith.constant 0 : i32
      %dma_start3A_38 = tpu.memref_slice %arg10[%add3A_15, %dma_start3A_37] : memref<10112x128xf32, #tpu.memory_space<vmem_shared>> -> memref<120x128xf32, #tpu.memory_space<vmem_shared>>
      %dma_start3A_39 = arith.constant 0 : i32
      %dma_start3A_40 = tpu.memref_slice %arg10[%add3A_15, %dma_start3A_39] : memref<10112x128xf32, #tpu.memory_space<vmem_shared>> -> memref<120x128xf32, #tpu.memory_space<vmem_shared>>
      %dma_start3A_41 = arith.constant 0 : i32
      %dma_start3A_42 = arith.constant 0 : i32
      %dma_start3A_43 = tpu.memref_slice %arg9[%dma_start3A_41, %dma_start3A_42] : memref<128x128xf32, #tpu.memory_space<vmem>> -> memref<120x128xf32, #tpu.memory_space<vmem>>
      tpu.enqueue_dma source(%dma_start3A_43 : memref<120x128xf32, #tpu.memory_space<vmem>>) target(%dma_start3A_40 : memref<120x128xf32, #tpu.memory_space<vmem_shared>>) target_semaphore(%run_scoped3A : memref<!tpu.dma_semaphore, #tpu.memory_space<semaphore_mem>>)
      %dma_wait3A = arith.constant 0 : i32
      %dma_wait3A_44 = arith.constant 0 : i32
      %dma_wait3A_45 = tpu.memref_slice %arg9[%dma_wait3A, %dma_wait3A_44] : memref<128x128xf32, #tpu.memory_space<vmem>> -> memref<120x128xf32, #tpu.memory_space<vmem>>
      %dma_wait3A_46 = arith.constant 0 : i32
      %dma_wait3A_47 = tpu.memref_slice %arg10[%add3A_15, %dma_wait3A_46] : memref<10112x128xf32, #tpu.memory_space<vmem_shared>> -> memref<120x128xf32, #tpu.memory_space<vmem_shared>>
      %dma_wait3A_48 = arith.constant 0 : i32
      %dma_wait3A_49 = tpu.memref_slice %arg10[%add3A_15, %dma_wait3A_48] : memref<10112x128xf32, #tpu.memory_space<vmem_shared>> -> memref<120x128xf32, #tpu.memory_space<vmem_shared>>
      %dma_wait3A_50 = arith.constant 0 : i32
      %dma_wait3A_51 = arith.constant 0 : i32
      %dma_wait3A_52 = tpu.memref_slice %arg9[%dma_wait3A_50, %dma_wait3A_51] : memref<128x128xf32, #tpu.memory_space<vmem>> -> memref<120x128xf32, #tpu.memory_space<vmem>>
      tpu.wait_dma2 semaphore(%run_scoped3A : memref<!tpu.dma_semaphore, #tpu.memory_space<semaphore_mem>>) src(%dma_wait3A_52 : memref<120x128xf32, #tpu.memory_space<vmem>>) dst(%dma_wait3A_49 : memref<120x128xf32, #tpu.memory_space<vmem_shared>>)
      tpu.yield
    }) : () -> ()
    %barrier3A = arith.constant 0 : index
    tpu.barrier barrier_id(%barrier3A)
    %mul3A_16 = arith.constant 2 : i32
    %mul3A_17 = arith.muli %arg1, %mul3A_16 : i32
    %add3A_18 = arith.addi %mul3A_17, %arg0 : i32
    %mul3A_19 = arith.constant 10240 : i32
    %mul3A_20 = arith.muli %add3A_18, %mul3A_19 : i32
    %multiple_of3A = tpu.assume_multiple %mul3A_20, 128 : i32
    %scan3A_21 = arith.constant 0 : i32
    %scan3A_22 = arith.constant 0 : i32
    %scan3A_23 = arith.constant 80 : i32
    %scan3A_24 = arith.addi %scan3A_22, %scan3A_23 : i32
    %scan3A_25 = arith.constant 1 : i32
    %scan3A_26 = scf.for %scan3A_35 = %scan3A_22 to %scan3A_24 step %scan3A_25 iter_args(%scan3A_36 = %scan3A_21) -> (i32)  : i32 {
      %mul3A_37 = arith.constant 128 : i32
      %mul3A_38 = arith.muli %scan3A_35, %mul3A_37 : i32
      %add3A_39 = arith.addi %multiple_of3A, %mul3A_38 : i32
      %multiple_of3A_40 = tpu.assume_multiple %add3A_39, 128 : i32
      %run_scoped3A = arith.constant 0 : i32
      "tpu.region"() ({
        %run_scoped3A_67 = tpu.sem_alloc : memref<!tpu.dma_semaphore, #tpu.memory_space<semaphore_mem>>
        %dma_start3A_68 = arith.constant 0 : i32
        %dma_start3A_69 = tpu.memref_slice %arg6[%run_scoped3A, %dma_start3A_68] : memref<2x128xi32, #tpu.memory_space<vmem>> -> memref<1x128xi32, #tpu.memory_space<vmem>>
        %dma_start3A_70 = tpu.memref_squeeze %dma_start3A_69 : memref<1x128xi32, #tpu.memory_space<vmem>> -> memref<128xi32, #tpu.memory_space<vmem>>
        %dma_start3A_71 = tpu.memref_slice %arg3[%multiple_of3A_40] : memref<327680xi32, #tpu.memory_space<hbm>> -> memref<128xi32, #tpu.memory_space<hbm>>
        %dma_start3A_72 = arith.constant 0 : i32
        %dma_start3A_73 = tpu.memref_slice %arg6[%run_scoped3A, %dma_start3A_72] : memref<2x128xi32, #tpu.memory_space<vmem>> -> memref<1x128xi32, #tpu.memory_space<vmem>>
        %dma_start3A_74 = tpu.memref_squeeze %dma_start3A_73 : memref<1x128xi32, #tpu.memory_space<vmem>> -> memref<128xi32, #tpu.memory_space<vmem>>
        %dma_start3A_75 = tpu.memref_slice %arg3[%multiple_of3A_40] : memref<327680xi32, #tpu.memory_space<hbm>> -> memref<128xi32, #tpu.memory_space<hbm>>
        tpu.enqueue_dma source(%dma_start3A_75 : memref<128xi32, #tpu.memory_space<hbm>>) target(%dma_start3A_74 : memref<128xi32, #tpu.memory_space<vmem>>) target_semaphore(%run_scoped3A_67 : memref<!tpu.dma_semaphore, #tpu.memory_space<semaphore_mem>>)
        %dma_wait3A_76 = arith.constant 0 : i32
        %dma_wait3A_77 = tpu.memref_slice %arg6[%run_scoped3A, %dma_wait3A_76] : memref<2x128xi32, #tpu.memory_space<vmem>> -> memref<1x128xi32, #tpu.memory_space<vmem>>
        %dma_wait3A_78 = tpu.memref_squeeze %dma_wait3A_77 : memref<1x128xi32, #tpu.memory_space<vmem>> -> memref<128xi32, #tpu.memory_space<vmem>>
        %dma_wait3A_79 = tpu.memref_slice %arg3[%multiple_of3A_40] : memref<327680xi32, #tpu.memory_space<hbm>> -> memref<128xi32, #tpu.memory_space<hbm>>
        %dma_wait3A_80 = arith.constant 0 : i32
        %dma_wait3A_81 = tpu.memref_slice %arg6[%run_scoped3A, %dma_wait3A_80] : memref<2x128xi32, #tpu.memory_space<vmem>> -> memref<1x128xi32, #tpu.memory_space<vmem>>
        %dma_wait3A_82 = tpu.memref_squeeze %dma_wait3A_81 : memref<1x128xi32, #tpu.memory_space<vmem>> -> memref<128xi32, #tpu.memory_space<vmem>>
        %dma_wait3A_83 = tpu.memref_slice %arg3[%multiple_of3A_40] : memref<327680xi32, #tpu.memory_space<hbm>> -> memref<128xi32, #tpu.memory_space<hbm>>
        tpu.wait_dma2 semaphore(%run_scoped3A_67 : memref<!tpu.dma_semaphore, #tpu.memory_space<semaphore_mem>>) src(%dma_wait3A_83 : memref<128xi32, #tpu.memory_space<hbm>>) dst(%dma_wait3A_82 : memref<128xi32, #tpu.memory_space<vmem>>)
        tpu.yield
      }) : () -> ()
      %run_scoped3A_41 = arith.constant 0 : i32
      "tpu.region"() ({
        %run_scoped3A_67 = tpu.sem_alloc : memref<!tpu.dma_semaphore, #tpu.memory_space<semaphore_mem>>
        %dma_start3A_68 = arith.constant 0 : i32
        %dma_start3A_69 = tpu.memref_slice %arg7[%run_scoped3A_41, %dma_start3A_68] : memref<2x128xi32, #tpu.memory_space<vmem>> -> memref<1x128xi32, #tpu.memory_space<vmem>>
        %dma_start3A_70 = tpu.memref_squeeze %dma_start3A_69 : memref<1x128xi32, #tpu.memory_space<vmem>> -> memref<128xi32, #tpu.memory_space<vmem>>
        %dma_start3A_71 = tpu.memref_slice %arg4[%multiple_of3A_40] : memref<327680xi32, #tpu.memory_space<hbm>> -> memref<128xi32, #tpu.memory_space<hbm>>
        %dma_start3A_72 = arith.constant 0 : i32
        %dma_start3A_73 = tpu.memref_slice %arg7[%run_scoped3A_41, %dma_start3A_72] : memref<2x128xi32, #tpu.memory_space<vmem>> -> memref<1x128xi32, #tpu.memory_space<vmem>>
        %dma_start3A_74 = tpu.memref_squeeze %dma_start3A_73 : memref<1x128xi32, #tpu.memory_space<vmem>> -> memref<128xi32, #tpu.memory_space<vmem>>
        %dma_start3A_75 = tpu.memref_slice %arg4[%multiple_of3A_40] : memref<327680xi32, #tpu.memory_space<hbm>> -> memref<128xi32, #tpu.memory_space<hbm>>
        tpu.enqueue_dma source(%dma_start3A_75 : memref<128xi32, #tpu.memory_space<hbm>>) target(%dma_start3A_74 : memref<128xi32, #tpu.memory_space<vmem>>) target_semaphore(%run_scoped3A_67 : memref<!tpu.dma_semaphore, #tpu.memory_space<semaphore_mem>>)
        %dma_wait3A_76 = arith.constant 0 : i32
        %dma_wait3A_77 = tpu.memref_slice %arg7[%run_scoped3A_41, %dma_wait3A_76] : memref<2x128xi32, #tpu.memory_space<vmem>> -> memref<1x128xi32, #tpu.memory_space<vmem>>
        %dma_wait3A_78 = tpu.memref_squeeze %dma_wait3A_77 : memref<1x128xi32, #tpu.memory_space<vmem>> -> memref<128xi32, #tpu.memory_space<vmem>>
        %dma_wait3A_79 = tpu.memref_slice %arg4[%multiple_of3A_40] : memref<327680xi32, #tpu.memory_space<hbm>> -> memref<128xi32, #tpu.memory_space<hbm>>
        %dma_wait3A_80 = arith.constant 0 : i32
        %dma_wait3A_81 = tpu.memref_slice %arg7[%run_scoped3A_41, %dma_wait3A_80] : memref<2x128xi32, #tpu.memory_space<vmem>> -> memref<1x128xi32, #tpu.memory_space<vmem>>
        %dma_wait3A_82 = tpu.memref_squeeze %dma_wait3A_81 : memref<1x128xi32, #tpu.memory_space<vmem>> -> memref<128xi32, #tpu.memory_space<vmem>>
        %dma_wait3A_83 = tpu.memref_slice %arg4[%multiple_of3A_40] : memref<327680xi32, #tpu.memory_space<hbm>> -> memref<128xi32, #tpu.memory_space<hbm>>
        tpu.wait_dma2 semaphore(%run_scoped3A_67 : memref<!tpu.dma_semaphore, #tpu.memory_space<semaphore_mem>>) src(%dma_wait3A_83 : memref<128xi32, #tpu.memory_space<hbm>>) dst(%dma_wait3A_82 : memref<128xi32, #tpu.memory_space<vmem>>)
        tpu.yield
      }) : () -> ()
      %dma_start3A = arith.constant 0 : i32
      %dma_start3A_42 = arith.constant 0 : i32
      %dma_start3A_43 = arith.constant 0 : i32
      %dma_start3A_44 = arith.constant 0 : i32
      %dma_start3A_45 = tpu.memref_slice %arg8[%dma_start3A_42, %dma_start3A_43, %dma_start3A_44] : memref<2x128x128xf32, #tpu.memory_space<vmem>> -> memref<1x128x128xf32, #tpu.memory_space<vmem>>
      %dma_start3A_46 = tpu.memref_squeeze %dma_start3A_45 : memref<1x128x128xf32, #tpu.memory_space<vmem>> -> memref<128x128xf32, #tpu.memory_space<vmem>>
      %dma_start3A_47 = arith.constant 0 : i32
      %dma_start3A_48 = tpu.memref_slice %arg6[%dma_start3A, %dma_start3A_47] : memref<2x128xi32, #tpu.memory_space<vmem>> -> memref<1x128xi32, #tpu.memory_space<vmem>>
      %dma_start3A_49 = tpu.memref_squeeze %dma_start3A_48 : memref<1x128xi32, #tpu.memory_space<vmem>> -> memref<128xi32, #tpu.memory_space<vmem>>
      %dma_start3A_50 = arith.constant 0 : i32
      %dma_start3A_51 = arith.constant 0 : i32
      %dma_start3A_52 = tpu.memref_slice %arg2[%dma_start3A_50, %dma_start3A_51] : memref<10000x128xf32, #tpu.memory_space<hbm>> -> memref<10000x128xf32, #tpu.memory_space<hbm>>
      tpu.enqueue_indirect_dma source(%dma_start3A_52 : memref<10000x128xf32, #tpu.memory_space<hbm>>) target(%dma_start3A_46 : memref<128x128xf32, #tpu.memory_space<vmem>>) offsets(%dma_start3A_49 : memref<128xi32, #tpu.memory_space<vmem>>) semaphore(%arg11 : memref<!tpu.dma_semaphore, #tpu.memory_space<semaphore_mem>>)
      %dma_wait3A = arith.constant 0 : i32
      %dma_wait3A_53 = arith.constant 0 : i32
      %dma_wait3A_54 = arith.constant 0 : i32
      %dma_wait3A_55 = arith.constant 0 : i32
      %dma_wait3A_56 = tpu.memref_slice %arg8[%dma_wait3A_53, %dma_wait3A_54, %dma_wait3A_55] : memref<2x128x128xf32, #tpu.memory_space<vmem>> -> memref<1x128x128xf32, #tpu.memory_space<vmem>>
      %dma_wait3A_57 = tpu.memref_squeeze %dma_wait3A_56 : memref<1x128x128xf32, #tpu.memory_space<vmem>> -> memref<128x128xf32, #tpu.memory_space<vmem>>
      %dma_wait3A_58 = arith.constant 0 : i32
      %dma_wait3A_59 = tpu.memref_slice %arg6[%dma_wait3A, %dma_wait3A_58] : memref<2x128xi32, #tpu.memory_space<vmem>> -> memref<1x128xi32, #tpu.memory_space<vmem>>
      %dma_wait3A_60 = tpu.memref_squeeze %dma_wait3A_59 : memref<1x128xi32, #tpu.memory_space<vmem>> -> memref<128xi32, #tpu.memory_space<vmem>>
      %dma_wait3A_61 = arith.constant 0 : i32
      %dma_wait3A_62 = arith.constant 0 : i32
      %dma_wait3A_63 = tpu.memref_slice %arg2[%dma_wait3A_61, %dma_wait3A_62] : memref<10000x128xf32, #tpu.memory_space<hbm>> -> memref<10000x128xf32, #tpu.memory_space<hbm>>
      tpu.wait_indirect_dma semaphore(%arg11 : memref<!tpu.dma_semaphore, #tpu.memory_space<semaphore_mem>>) src(%dma_wait3A_63 : memref<10000x128xf32, #tpu.memory_space<hbm>>) dst(%dma_wait3A_57 : memref<128x128xf32, #tpu.memory_space<vmem>>)
      %run_scoped3A_64 = arith.constant 0 : i32
      %run_scoped3A_65 = arith.constant 0 : i32
      "tpu.region"() ({
        %run_scoped3A_67 = tpu.sem_alloc : memref<!tpu.dma_semaphore, #tpu.memory_space<semaphore_mem>>
        %dma_start3A_68 = arith.constant 0 : i32
        %dma_start3A_69 = arith.constant 0 : i32
        %dma_start3A_70 = tpu.memref_slice %arg8[%run_scoped3A_64, %dma_start3A_68, %dma_start3A_69] : memref<2x128x128xf32, #tpu.memory_space<vmem>> -> memref<1x128x128xf32, #tpu.memory_space<vmem>>
        %dma_start3A_71 = tpu.memref_squeeze %dma_start3A_70 : memref<1x128x128xf32, #tpu.memory_space<vmem>> -> memref<128x128xf32, #tpu.memory_space<vmem>>
        %dma_start3A_72 = arith.constant 0 : i32
        %dma_start3A_73 = tpu.memref_slice %arg7[%run_scoped3A_65, %dma_start3A_72] : memref<2x128xi32, #tpu.memory_space<vmem>> -> memref<1x128xi32, #tpu.memory_space<vmem>>
        %dma_start3A_74 = tpu.memref_squeeze %dma_start3A_73 : memref<1x128xi32, #tpu.memory_space<vmem>> -> memref<128xi32, #tpu.memory_space<vmem>>
        %dma_start3A_75 = arith.constant 0 : i32
        %dma_start3A_76 = arith.constant 0 : i32
        %dma_start3A_77 = tpu.memref_slice %arg10[%dma_start3A_75, %dma_start3A_76] : memref<10112x128xf32, #tpu.memory_space<vmem_shared>> -> memref<10112x128xf32, #tpu.memory_space<vmem_shared>>
        tpu.enqueue_indirect_dma source(%dma_start3A_71 : memref<128x128xf32, #tpu.memory_space<vmem>>) target(%dma_start3A_77 : memref<10112x128xf32, #tpu.memory_space<vmem_shared>>) offsets(%dma_start3A_74 : memref<128xi32, #tpu.memory_space<vmem>>) semaphore(%run_scoped3A_67 : memref<!tpu.dma_semaphore, #tpu.memory_space<semaphore_mem>>) {add = true}
        %dma_wait3A_78 = arith.constant 0 : i32
        %dma_wait3A_79 = arith.constant 0 : i32
        %dma_wait3A_80 = tpu.memref_slice %arg8[%run_scoped3A_64, %dma_wait3A_78, %dma_wait3A_79] : memref<2x128x128xf32, #tpu.memory_space<vmem>> -> memref<1x128x128xf32, #tpu.memory_space<vmem>>
        %dma_wait3A_81 = tpu.memref_squeeze %dma_wait3A_80 : memref<1x128x128xf32, #tpu.memory_space<vmem>> -> memref<128x128xf32, #tpu.memory_space<vmem>>
        %dma_wait3A_82 = arith.constant 0 : i32
        %dma_wait3A_83 = tpu.memref_slice %arg7[%run_scoped3A_65, %dma_wait3A_82] : memref<2x128xi32, #tpu.memory_space<vmem>> -> memref<1x128xi32, #tpu.memory_space<vmem>>
        %dma_wait3A_84 = tpu.memref_squeeze %dma_wait3A_83 : memref<1x128xi32, #tpu.memory_space<vmem>> -> memref<128xi32, #tpu.memory_space<vmem>>
        %dma_wait3A_85 = arith.constant 0 : i32
        %dma_wait3A_86 = arith.constant 0 : i32
        %dma_wait3A_87 = tpu.memref_slice %arg10[%dma_wait3A_85, %dma_wait3A_86] : memref<10112x128xf32, #tpu.memory_space<vmem_shared>> -> memref<10112x128xf32, #tpu.memory_space<vmem_shared>>
        tpu.wait_indirect_dma semaphore(%run_scoped3A_67 : memref<!tpu.dma_semaphore, #tpu.memory_space<semaphore_mem>>) src(%dma_wait3A_81 : memref<128x128xf32, #tpu.memory_space<vmem>>) dst(%dma_wait3A_87 : memref<10112x128xf32, #tpu.memory_space<vmem_shared>>)
        tpu.yield
      }) : () -> ()
      %scan3A_66 = arith.constant 0 : i32
      scf.yield %scan3A_66 : i32
    }
    %scan3A_27 = arith.constant 80 : i32
    %barrier3A_28 = arith.constant 0 : index
    tpu.barrier barrier_id(%barrier3A_28)
    %lt3A = arith.constant 15 : i32
    %lt3A_29 = arith.cmpi slt, %arg1, %lt3A : i32
    %convert_element_type3A = arith.extui %lt3A_29 : i1 to i32
    %cond3A = arith.constant 0 : i32
    %cond3A_30 = arith.cmpi ne, %convert_element_type3A, %cond3A : i32
    scf.if %cond3A_30 {
      %mul3A_35 = arith.constant 624 : i32
      %mul3A_36 = arith.muli %arg1, %mul3A_35 : i32
      %mul3A_37 = arith.constant 624 : i32
      %mul3A_38 = arith.muli %arg1, %mul3A_37 : i32
      "tpu.region"() ({
        %run_scoped3A = tpu.sem_alloc : memref<!tpu.dma_semaphore, #tpu.memory_space<semaphore_mem>>
        %dma_start3A = arith.constant 0 : i32
        %dma_start3A_39 = tpu.memref_slice %arg5[%arg0, %mul3A_38, %dma_start3A] : memref<2x10000x128xf32, #tpu.memory_space<hbm>> -> memref<1x624x128xf32, #tpu.memory_space<hbm>>
        %dma_start3A_40 = tpu.memref_squeeze %dma_start3A_39 : memref<1x624x128xf32, #tpu.memory_space<hbm>> -> memref<624x128xf32, #tpu.memory_space<hbm>>
        %dma_start3A_41 = arith.constant 0 : i32
        %dma_start3A_42 = tpu.memref_slice %arg10[%mul3A_36, %dma_start3A_41] : memref<10112x128xf32, #tpu.memory_space<vmem_shared>> -> memref<624x128xf32, #tpu.memory_space<vmem_shared>>
        tpu.enqueue_dma source(%dma_start3A_42 : memref<624x128xf32, #tpu.memory_space<vmem_shared>>) target(%dma_start3A_40 : memref<624x128xf32, #tpu.memory_space<hbm>>) target_semaphore(%run_scoped3A : memref<!tpu.dma_semaphore, #tpu.memory_space<semaphore_mem>>)
        %dma_wait3A = arith.constant 0 : i32
        %dma_wait3A_43 = tpu.memref_slice %arg5[%arg0, %mul3A_38, %dma_wait3A] : memref<2x10000x128xf32, #tpu.memory_space<hbm>> -> memref<1x624x128xf32, #tpu.memory_space<hbm>>
        %dma_wait3A_44 = tpu.memref_squeeze %dma_wait3A_43 : memref<1x624x128xf32, #tpu.memory_space<hbm>> -> memref<624x128xf32, #tpu.memory_space<hbm>>
        %dma_wait3A_45 = arith.constant 0 : i32
        %dma_wait3A_46 = tpu.memref_slice %arg10[%mul3A_36, %dma_wait3A_45] : memref<10112x128xf32, #tpu.memory_space<vmem_shared>> -> memref<624x128xf32, #tpu.memory_space<vmem_shared>>
        tpu.wait_dma2 semaphore(%run_scoped3A : memref<!tpu.dma_semaphore, #tpu.memory_space<semaphore_mem>>) src(%dma_wait3A_46 : memref<624x128xf32, #tpu.memory_space<vmem_shared>>) dst(%dma_wait3A_44 : memref<624x128xf32, #tpu.memory_space<hbm>>)
        tpu.yield
      }) : () -> ()
    } else {
    }
    %eq3A = arith.constant 15 : i32
    %eq3A_31 = arith.cmpi eq, %arg1, %eq3A : i32
    %convert_element_type3A_32 = arith.extui %eq3A_31 : i1 to i32
    %cond3A_33 = arith.constant 0 : i32
    %cond3A_34 = arith.cmpi ne, %convert_element_type3A_32, %cond3A_33 : i32
    scf.if %cond3A_34 {
      "tpu.region"() ({
        %run_scoped3A = tpu.sem_alloc : memref<!tpu.dma_semaphore, #tpu.memory_space<semaphore_mem>>
        %dma_start3A = arith.constant 9360 : i32
        %dma_start3A_35 = arith.constant 0 : i32
        %dma_start3A_36 = tpu.memref_slice %arg5[%arg0, %dma_start3A, %dma_start3A_35] : memref<2x10000x128xf32, #tpu.memory_space<hbm>> -> memref<1x640x128xf32, #tpu.memory_space<hbm>>
        %dma_start3A_37 = tpu.memref_squeeze %dma_start3A_36 : memref<1x640x128xf32, #tpu.memory_space<hbm>> -> memref<640x128xf32, #tpu.memory_space<hbm>>
        %dma_start3A_38 = arith.constant 9360 : i32
        %dma_start3A_39 = arith.constant 0 : i32
        %dma_start3A_40 = tpu.memref_slice %arg10[%dma_start3A_38, %dma_start3A_39] : memref<10112x128xf32, #tpu.memory_space<vmem_shared>> -> memref<640x128xf32, #tpu.memory_space<vmem_shared>>
        tpu.enqueue_dma source(%dma_start3A_40 : memref<640x128xf32, #tpu.memory_space<vmem_shared>>) target(%dma_start3A_37 : memref<640x128xf32, #tpu.memory_space<hbm>>) target_semaphore(%run_scoped3A : memref<!tpu.dma_semaphore, #tpu.memory_space<semaphore_mem>>)
        %dma_wait3A = arith.constant 9360 : i32
        %dma_wait3A_41 = arith.constant 0 : i32
        %dma_wait3A_42 = tpu.memref_slice %arg5[%arg0, %dma_wait3A, %dma_wait3A_41] : memref<2x10000x128xf32, #tpu.memory_space<hbm>> -> memref<1x640x128xf32, #tpu.memory_space<hbm>>
        %dma_wait3A_43 = tpu.memref_squeeze %dma_wait3A_42 : memref<1x640x128xf32, #tpu.memory_space<hbm>> -> memref<640x128xf32, #tpu.memory_space<hbm>>
        %dma_wait3A_44 = arith.constant 9360 : i32
        %dma_wait3A_45 = arith.constant 0 : i32
        %dma_wait3A_46 = tpu.memref_slice %arg10[%dma_wait3A_44, %dma_wait3A_45] : memref<10112x128xf32, #tpu.memory_space<vmem_shared>> -> memref<640x128xf32, #tpu.memory_space<vmem_shared>>
        tpu.wait_dma2 semaphore(%run_scoped3A : memref<!tpu.dma_semaphore, #tpu.memory_space<semaphore_mem>>) src(%dma_wait3A_46 : memref<640x128xf32, #tpu.memory_space<vmem_shared>>) dst(%dma_wait3A_43 : memref<640x128xf32, #tpu.memory_space<hbm>>)
        tpu.yield
      }) : () -> ()
    } else {
    }
    return
  }
}

module attributes {stable_mosaic.version = 14 : i64} {
  func.func @_layer_body(%arg0: memref<10000x128xf32, #tpu.memory_space<vmem>>, %arg1: memref<2x10000x128xf32, #tpu.memory_space<vmem>>, %arg2: memref<128x128xf32, #tpu.memory_space<vmem>>, %arg3: memref<128x128xf32, #tpu.memory_space<vmem>>, %arg4: memref<10000x128xf32, #tpu.memory_space<vmem>>) attributes {dimension_semantics = [], scalar_prefetch = 0 : i64, scratch_operands = 0 : i64, tpu.core_type = #tpu.core_type<tc>} {
    %get3A = arith.constant 0 : index
    %get3A_0 = arith.constant 0 : index
    %get3A_1 = vector.load %arg0[%get3A, %get3A_0] : memref<10000x128xf32, #tpu.memory_space<vmem>>, vector<10000x128xf32>
    %get3A_2 = arith.constant 0 : index
    %get3A_3 = arith.constant 0 : index
    %get3A_4 = arith.constant 0 : index
    %get3A_5 = vector.load %arg1[%get3A_2, %get3A_3, %get3A_4] : memref<2x10000x128xf32, #tpu.memory_space<vmem>>, vector<1x10000x128xf32>
    %get3A_6 = vector.shape_cast %get3A_5 : vector<1x10000x128xf32> to vector<10000x128xf32>
    %add3A = arith.constant 0.000000e+00 : f32
    %add3A_7 = vector.broadcast %add3A : f32 to vector<10000x128xf32>
    %add3A_8 = arith.addf %add3A_7, %get3A_6 : vector<10000x128xf32>
    %get3A_9 = arith.constant 1 : index
    %get3A_10 = arith.constant 0 : index
    %get3A_11 = arith.constant 0 : index
    %get3A_12 = vector.load %arg1[%get3A_9, %get3A_10, %get3A_11] : memref<2x10000x128xf32, #tpu.memory_space<vmem>>, vector<1x10000x128xf32>
    %get3A_13 = vector.shape_cast %get3A_12 : vector<1x10000x128xf32> to vector<10000x128xf32>
    %add3A_14 = arith.addf %add3A_8, %get3A_13 : vector<10000x128xf32>
    %add3A_15 = arith.addf %get3A_1, %add3A_14 : vector<10000x128xf32>
    %get3A_16 = arith.constant 0 : index
    %get3A_17 = arith.constant 0 : index
    %get3A_18 = vector.load %arg2[%get3A_16, %get3A_17] : memref<128x128xf32, #tpu.memory_space<vmem>>, vector<128x128xf32>
    %dot_general3A = arith.constant dense<0.000000e+00> : vector<10000x128xf32>
    %dot_general3A_19 = tpu.matmul %add3A_15, %get3A_18, %dot_general3A {dimension_numbers = #tpu.dot_dimension_numbers<[1], [0], [0], [1], [0, 0, 1, 1], [], []>, precision = #tpu.contract_precision<fp32>, transpose_lhs_hint = false} : vector<10000x128xf32>, vector<128x128xf32>, vector<10000x128xf32> -> vector<10000x128xf32>
    %max3A = arith.constant 0.000000e+00 : f32
    %max3A_20 = vector.broadcast %max3A : f32 to vector<10000x128xf32>
    %max3A_21 = arith.maximumf %dot_general3A_19, %max3A_20 : vector<10000x128xf32>
    %get3A_22 = arith.constant 0 : index
    %get3A_23 = arith.constant 0 : index
    %get3A_24 = vector.load %arg3[%get3A_22, %get3A_23] : memref<128x128xf32, #tpu.memory_space<vmem>>, vector<128x128xf32>
    %dot_general3A_25 = arith.constant dense<0.000000e+00> : vector<10000x128xf32>
    %dot_general3A_26 = tpu.matmul %max3A_21, %get3A_24, %dot_general3A_25 {dimension_numbers = #tpu.dot_dimension_numbers<[1], [0], [0], [1], [0, 0, 1, 1], [], []>, precision = #tpu.contract_precision<fp32>, transpose_lhs_hint = false} : vector<10000x128xf32>, vector<128x128xf32>, vector<10000x128xf32> -> vector<10000x128xf32>
    %max3A_27 = arith.constant 0.000000e+00 : f32
    %max3A_28 = vector.broadcast %max3A_27 : f32 to vector<10000x128xf32>
    %max3A_29 = arith.maximumf %dot_general3A_26, %max3A_28 : vector<10000x128xf32>
    %swap3A = arith.constant 0 : index
    %swap3A_30 = arith.constant 0 : index
    %swap3A_31 = vector.load %arg4[%swap3A, %swap3A_30] : memref<10000x128xf32, #tpu.memory_space<vmem>>, vector<10000x128xf32>
    tpu.vector_store %arg4[%swap3A, %swap3A_30], %max3A_29 {strides = array<i32>} : memref<10000x128xf32, #tpu.memory_space<vmem>>, vector<10000x128xf32>,
    return
  }
}

module attributes {stable_mosaic.version = 14 : i64} {
  func.func @_layer_body(%arg0: memref<10000x128xf32, #tpu.memory_space<vmem>>, %arg1: memref<2x10000x128xf32, #tpu.memory_space<vmem>>, %arg2: memref<128x128xf32, #tpu.memory_space<vmem>>, %arg3: memref<128x128xf32, #tpu.memory_space<vmem>>, %arg4: memref<10000x128xf32, #tpu.memory_space<vmem>>) attributes {dimension_semantics = [], scalar_prefetch = 0 : i64, scratch_operands = 0 : i64, tpu.core_type = #tpu.core_type<tc>} {
    %get3A = arith.constant 0 : index
    %get3A_0 = arith.constant 0 : index
    %get3A_1 = vector.load %arg0[%get3A, %get3A_0] : memref<10000x128xf32, #tpu.memory_space<vmem>>, vector<10000x128xf32>
    %get3A_2 = arith.constant 0 : index
    %get3A_3 = arith.constant 0 : index
    %get3A_4 = arith.constant 0 : index
    %get3A_5 = vector.load %arg1[%get3A_2, %get3A_3, %get3A_4] : memref<2x10000x128xf32, #tpu.memory_space<vmem>>, vector<1x10000x128xf32>
    %get3A_6 = vector.shape_cast %get3A_5 : vector<1x10000x128xf32> to vector<10000x128xf32>
    %add3A = arith.constant 0.000000e+00 : f32
    %add3A_7 = vector.broadcast %add3A : f32 to vector<10000x128xf32>
    %add3A_8 = arith.addf %add3A_7, %get3A_6 : vector<10000x128xf32>
    %get3A_9 = arith.constant 1 : index
    %get3A_10 = arith.constant 0 : index
    %get3A_11 = arith.constant 0 : index
    %get3A_12 = vector.load %arg1[%get3A_9, %get3A_10, %get3A_11] : memref<2x10000x128xf32, #tpu.memory_space<vmem>>, vector<1x10000x128xf32>
    %get3A_13 = vector.shape_cast %get3A_12 : vector<1x10000x128xf32> to vector<10000x128xf32>
    %add3A_14 = arith.addf %add3A_8, %get3A_13 : vector<10000x128xf32>
    %add3A_15 = arith.addf %get3A_1, %add3A_14 : vector<10000x128xf32>
    %get3A_16 = arith.constant 0 : index
    %get3A_17 = arith.constant 0 : index
    %get3A_18 = vector.load %arg2[%get3A_16, %get3A_17] : memref<128x128xf32, #tpu.memory_space<vmem>>, vector<128x128xf32>
    %dot_general3A = arith.constant dense<0.000000e+00> : vector<10000x128xf32>
    %dot_general3A_19 = tpu.matmul %add3A_15, %get3A_18, %dot_general3A {dimension_numbers = #tpu.dot_dimension_numbers<[1], [0], [0], [1], [0, 0, 1, 1], [], []>, precision = #tpu.contract_precision<fp32>, transpose_lhs_hint = false} : vector<10000x128xf32>, vector<128x128xf32>, vector<10000x128xf32> -> vector<10000x128xf32>
    %max3A = arith.constant 0.000000e+00 : f32
    %max3A_20 = vector.broadcast %max3A : f32 to vector<10000x128xf32>
    %max3A_21 = arith.maximumf %dot_general3A_19, %max3A_20 : vector<10000x128xf32>
    %get3A_22 = arith.constant 0 : index
    %get3A_23 = arith.constant 0 : index
    %get3A_24 = vector.load %arg3[%get3A_22, %get3A_23] : memref<128x128xf32, #tpu.memory_space<vmem>>, vector<128x128xf32>
    %dot_general3A_25 = arith.constant dense<0.000000e+00> : vector<10000x128xf32>
    %dot_general3A_26 = tpu.matmul %max3A_21, %get3A_24, %dot_general3A_25 {dimension_numbers = #tpu.dot_dimension_numbers<[1], [0], [0], [1], [0, 0, 1, 1], [], []>, precision = #tpu.contract_precision<fp32>, transpose_lhs_hint = false} : vector<10000x128xf32>, vector<128x128xf32>, vector<10000x128xf32> -> vector<10000x128xf32>
    %swap3A = arith.constant 0 : index
    %swap3A_27 = arith.constant 0 : index
    %swap3A_28 = vector.load %arg4[%swap3A, %swap3A_27] : memref<10000x128xf32, #tpu.memory_space<vmem>>, vector<10000x128xf32>
    tpu.vector_store %arg4[%swap3A, %swap3A_27], %dot_general3A_26 {strides = array<i32>} : memref<10000x128xf32, #tpu.memory_space<vmem>>, vector<10000x128xf32>,
    return
  }
}

module attributes {stable_mosaic.version = 14 : i64} {
  func.func @_pool_body(%arg0: memref<10000x128xf32, #tpu.memory_space<vmem>>, %arg1: memref<1x10000xi32, #tpu.memory_space<vmem>>, %arg2: memref<128x128xf32, #tpu.memory_space<vmem>>, %arg3: memref<128x10xf32, #tpu.memory_space<vmem>>, %arg4: memref<64x10xf32, #tpu.memory_space<vmem>>) attributes {dimension_semantics = [], scalar_prefetch = 0 : i64, scratch_operands = 0 : i64, tpu.core_type = #tpu.core_type<tc>} {
    %get3A = arith.constant 0 : index
    %get3A_0 = arith.constant 0 : index
    %get3A_1 = vector.load %arg1[%get3A, %get3A_0] : memref<1x10000xi32, #tpu.memory_space<vmem>>, vector<1x10000xi32>
    %iota3A = tpu.iota {dimensions = array<i32: 0>} : vector<64x1xi32>
    %eq3A = vector.broadcast %iota3A : vector<64x1xi32> to vector<64x10000xi32>
    %eq3A_2 = vector.broadcast %get3A_1 : vector<1x10000xi32> to vector<64x10000xi32>
    %eq3A_3 = arith.cmpi eq, %eq3A, %eq3A_2 : vector<64x10000xi32>
    %convert_element_type3A = arith.extui %eq3A_3 : vector<64x10000xi1> to vector<64x10000xi32>
    %convert_element_type3A_4 = arith.sitofp %convert_element_type3A : vector<64x10000xi32> to vector<64x10000xf32>
    %broadcast_in_dim3A = arith.constant 1.000000e+00 : f32
    %broadcast_in_dim3A_5 = vector.broadcast %broadcast_in_dim3A : f32 to vector<10000x1xf32>
    %dot_general3A = arith.constant dense<0.000000e+00> : vector<64x1xf32>
    %dot_general3A_6 = tpu.matmul %convert_element_type3A_4, %broadcast_in_dim3A_5, %dot_general3A {dimension_numbers = #tpu.dot_dimension_numbers<[1], [0], [0], [1], [0, 0, 1, 1], [], []>, transpose_lhs_hint = false} : vector<64x10000xf32>, vector<10000x1xf32>, vector<64x1xf32> -> vector<64x1xf32>
    %get3A_7 = arith.constant 0 : index
    %get3A_8 = arith.constant 0 : index
    %get3A_9 = vector.load %arg0[%get3A_7, %get3A_8] : memref<10000x128xf32, #tpu.memory_space<vmem>>, vector<10000x128xf32>
    %dot_general3A_10 = arith.constant dense<0.000000e+00> : vector<64x128xf32>
    %dot_general3A_11 = tpu.matmul %convert_element_type3A_4, %get3A_9, %dot_general3A_10 {dimension_numbers = #tpu.dot_dimension_numbers<[1], [0], [0], [1], [0, 0, 1, 1], [], []>, precision = #tpu.contract_precision<fp32>, transpose_lhs_hint = false} : vector<64x10000xf32>, vector<10000x128xf32>, vector<64x128xf32> -> vector<64x128xf32>
    %max3A = arith.constant 1.000000e+00 : f32
    %max3A_12 = vector.broadcast %max3A : f32 to vector<64x1xf32>
    %max3A_13 = arith.maximumf %dot_general3A_6, %max3A_12 : vector<64x1xf32>
    %div3A = vector.broadcast %max3A_13 : vector<64x1xf32> to vector<64x128xf32>
    %div3A_14 = arith.divf %dot_general3A_11, %div3A : vector<64x128xf32>
    %get3A_15 = arith.constant 0 : index
    %get3A_16 = arith.constant 0 : index
    %get3A_17 = vector.load %arg2[%get3A_15, %get3A_16] : memref<128x128xf32, #tpu.memory_space<vmem>>, vector<128x128xf32>
    %dot_general3A_18 = arith.constant dense<0.000000e+00> : vector<64x128xf32>
    %dot_general3A_19 = tpu.matmul %div3A_14, %get3A_17, %dot_general3A_18 {dimension_numbers = #tpu.dot_dimension_numbers<[1], [0], [0], [1], [0, 0, 1, 1], [], []>, precision = #tpu.contract_precision<fp32>, transpose_lhs_hint = false} : vector<64x128xf32>, vector<128x128xf32>, vector<64x128xf32> -> vector<64x128xf32>
    %get3A_20 = arith.constant 0 : index
    %get3A_21 = arith.constant 0 : index
    %get3A_22 = vector.load %arg3[%get3A_20, %get3A_21] : memref<128x10xf32, #tpu.memory_space<vmem>>, vector<128x10xf32>
    %dot_general3A_23 = arith.constant dense<0.000000e+00> : vector<64x10xf32>
    %dot_general3A_24 = tpu.matmul %dot_general3A_19, %get3A_22, %dot_general3A_23 {dimension_numbers = #tpu.dot_dimension_numbers<[1], [0], [0], [1], [0, 0, 1, 1], [], []>, precision = #tpu.contract_precision<fp32>, transpose_lhs_hint = false} : vector<64x128xf32>, vector<128x10xf32>, vector<64x10xf32> -> vector<64x10xf32>
    %swap3A = arith.constant 0 : index
    %swap3A_25 = arith.constant 0 : index
    %swap3A_26 = vector.load %arg4[%swap3A, %swap3A_25] : memref<64x10xf32, #tpu.memory_space<vmem>>, vector<64x10xf32>
    tpu.vector_store %arg4[%swap3A, %swap3A_25], %dot_general3A_24 {strides = array<i32>} : memref<64x10xf32, #tpu.memory_space<vmem>>, vector<64x10xf32>,
    return
  }
}

</mosaic_0001>

<sc_bundles>
// kernel: kernel.12.cloned.1.call-start
scs
__scs_entry_jumppad:
0x0: {  	(pc) =	sbr.rel $0x88, $3  }
0x1: {  	(tag) =	ssettag $0x0;
	lr =	simm.s32 $0x1  }
0x2: {  	[smem:$0x3F96] =	sst lr;
	_ =	strace $0xD0000000  }
0x3: {  	_ = 	snop  }
0x4: {  	_ = 	snop  }
0x5: {  	_ = 	snop  }
0x6: {  	_ = 	snop  }
0x7: {  	_ = 	snop  }
__scs_overlays_trampoline_lowered:
0x8: {  	[smem:$0x3FA5] =	sst s0  }
0x9: {  	[smem:$0x3FA6] =	sst s1  }
0xa: {  	[smem:$0x3FA7] =	sst s2  }
0xb: {  	[smem:$0x3FA8] =	sst s3  }
0xc: {  	[smem:$0x3FA9] =	sst s4  }
0xd: {  	[smem:$0x3FAA] =	sst s5  }
0xe: {  	[smem:$0x3FAB] =	sst s6  }
0xf: {  	[smem:$0x3FAC] =	sst s7  }
0x10: {  	[smem:$0x3FAD] =	sst s8  }
0x11: {  	[smem:$0x3FAE] =	sst s9;
	s0 =	simm.s32 @!p0 $0x0  }
0x12: {  	s1 =	sld [smem:$0x3F94];
	s0 =	simm.s32 @p0 $0x1  }
0x13: {  	[smem:$0x3FAF] =	sst s0;
	s0 =	simm.s32 @!p1 $0x0  }
0x14: {  	s2 =	sld [smem:$0x3F93];
	s0 =	simm.s32 @p1 $0x1  }
0x15: {  	[smem:$0x3FB0] =	sst s0;
	s0 =	simm.s32 @!p2 $0x0  }
0x16: {  	s3 =	sld [smem:$0x3FDB];
	s0 =	simm.s32 @p2 $0x1  }
0x17: {  	s4 =	simm.s32 $0x1BF5;
	[smem:$0x3FB2] =	sst s0  }
0x18: {  	s0 =	sld [smem:$0x3F95];
	_ =	swait.ge [sflag:s4], $0x0  }
0x19: {  	s7 =	sld [smem:$0x3F96]  }
0x1a: {  	s8 =	sadd.s32 $0xFFFFE003, lr  }
0x1b: {  	s9 =	sadd.s32 $0xFFFFFEF7, lr;
	s5 =	simm.s32 $0xFFFFFFFF;
	p2 =	slt.u32 s8, $0xFFFFF086  }
0x1c: {  	p1 =	slt.u32 s9, $0xF7A;
	s5 =	simm.s32 @!p2 $0x0  }
0x1d: {  	s5 =	simm.s32 @p1 $0x1;
	p0 =	seq.s32 s7, s2  }
0x1e: {  	s7 =	smul.u32 @!p0 $0xF7A, s2;
	p2 =	seq.s32 @!p0 s5, $0x0  }
0x1f: {  	s9 =	smul.u32 $0xF7A, s1;
	s8 =	simm.s32 @!p0 $0x1BF5;
	p2 =	por !p2, p0  }
0x20: {  	[sflag:s8] =	ssyncset.s32 @!p0 $0xFFFFF086;
	s6 =	sadd.s32 @!p0 s3, s7;
	s7 =	simm.s32 @!p0 $0x108  }
0x21: {  	s3 =	sadd.s32 s3, s9;
	s6 =	sadd.s32 @!p0 $0x88, s6;
	s7 =	simm.s32 @p2 $0x1082  }
0x22: {  	[simem:s7], [sflag:s8] =	dma.local @!p0 [hbm:s6], $0xF7A  }
0x23: {  	s9 =	sor.u32 $0xD0000000, s2;
	s6 =	simm.s32 $0x108;
	_ =	swait.ge @!p0 [sflag:s8], $0x0  }
0x24: {  	s3 =	sadd.s32 $0x88, s3;
	s6 =	simm.s32 @!p1 $0x1082;
	[sflag:s4] =	ssyncset.s32 $0xFFFFF086  }
0x25: {  	[simem:s6], [sflag:s4] =	dma.local [hbm:s3], $0xF7A  }
0x26: {  	[smem:$0x3F96] =	sst s1;
	(tag) =	ssettag s2;
	_ =	strace s9  }
0x27: {  	s1 =	sld [smem:$0x3FA6]  }
0x28: {  	s2 =	sld [smem:$0x3FA7]  }
0x29: {  	s4 =	sld [smem:$0x3FA9]  }
0x2a: {  	p0 =	seq.s32 s5, $0x0;
	s5 =	sld [smem:$0x3FAA]  }
0x2b: {  	s6 =	sld [smem:$0x3FAB]  }
0x2c: {  	s7 =	sld [smem:$0x3FAC]  }
0x2d: {  	s3 =	simm.s32 $0x108;
	s8 =	sld [smem:$0x3FAD]  }
0x2e: {  	s3 =	simm.s32 @!p0 $0x1082;
	s9 =	sld [smem:$0x3FAE]  }
0x2f: {  	lr =	sadd.s32 s0, s3;
	s0 =	sld [smem:$0x3FA5]  }
0x30: {  	s3 =	sld [smem:$0x3FA8]  }
0x31: {  	[smem:$0x3FB1] =	sst s10  }
0x32: {  	s10 =	sld [smem:$0x3FAF];
	_ =	sdelay $0x3  }
0x33: {  	p0 =	seq.s32 s10, $0x1;
	s10 =	sld [smem:$0x3FB1];
	_ =	sdelay $0x3  }
0x34: {  	[smem:$0x3FB1] =	sst s10  }
0x35: {  	s10 =	sld [smem:$0x3FB0];
	_ =	sdelay $0x3  }
0x36: {  	p1 =	seq.s32 s10, $0x1;
	s10 =	sld [smem:$0x3FB1];
	_ =	sdelay $0x3  }
0x37: {  	[smem:$0x3FB1] =	sst s10  }
0x38: {  	s10 =	sld [smem:$0x3FB2]  }
0x39: {  	_ = 	snop;
	(pc) =	sbr.ind lr, $3  }
0x3a: {  	_ = 	snop  }
0x3b: {  	_ = 	snop  }
0x3c: {  	p2 =	seq.s32 s10, $0x1;
	s10 =	sld [smem:$0x3FB1]  }
0x3d: {  	_ =	shalt  }
0x3e: {  	_ =	shalt  }
0x3f: {  	_ =	shalt  }
0x40: {  	_ =	shalt  }
0x41: {  	_ =	shalt  }
0x42: {  	_ =	shalt  }
0x43: {  	_ =	shalt  }
0x44: {  	_ =	shalt  }
0x45: {  	_ =	shalt  }
0x46: {  	_ =	shalt  }
0x47: {  	_ =	shalt  }
0x48: {  	_ =	shalt  }
0x49: {  	_ =	shalt  }
0x4a: {  	_ =	shalt  }
0x4b: {  	_ =	shalt  }
0x4c: {  	_ =	shalt  }
0x4d: {  	_ =	shalt  }
0x4e: {  	_ =	shalt  }
0x4f: {  	_ =	shalt  }
0x50: {  	_ =	shalt  }
0x51: {  	_ =	shalt  }
0x52: {  	_ =	shalt  }
0x53: {  	_ =	shalt  }
0x54: {  	_ =	shalt  }
0x55: {  	_ =	shalt  }
0x56: {  	_ =	shalt  }
0x57: {  	_ =	shalt  }
0x58: {  	_ =	shalt  }
0x59: {  	_ =	shalt  }
0x5a: {  	_ =	shalt  }
0x5b: {  	_ =	shalt  }
0x5c: {  	_ =	shalt  }
0x5d: {  	_ =	shalt  }
0x5e: {  	_ =	shalt  }
0x5f: {  	_ =	shalt  }
0x60: {  	_ =	shalt  }
0x61: {  	_ =	shalt  }
0x62: {  	_ =	shalt  }
0x63: {  	_ =	shalt  }
0x64: {  	_ =	shalt  }
0x65: {  	_ =	shalt  }
0x66: {  	_ =	shalt  }
0x67: {  	_ =	shalt  }
0x68: {  	_ =	shalt  }
0x69: {  	_ =	shalt  }
0x6a: {  	_ =	shalt  }
0x6b: {  	_ =	shalt  }
0x6c: {  	_ =	shalt  }
0x6d: {  	_ =	shalt  }
0x6e: {  	_ =	shalt  }
0x6f: {  	_ =	shalt  }
0x70: {  	_ =	shalt  }
0x71: {  	_ =	shalt  }
0x72: {  	_ =	shalt  }
0x73: {  	_ =	shalt  }
0x74: {  	_ =	shalt  }
0x75: {  	_ =	shalt  }
0x76: {  	_ =	shalt  }
0x77: {  	_ =	shalt  }
0x78: {  	_ =	shalt  }
0x79: {  	_ =	shalt  }
0x7a: {  	_ =	shalt  }
0x7b: {  	_ =	shalt  }
0x7c: {  	_ =	shalt  }
0x7d: {  	_ =	shalt  }
0x7e: {  	_ =	shalt  }
0x7f: {  	_ =	shalt  }
0x80: {  	_ =	shalt  }
0x81: {  	_ =	shalt  }
0x82: {  	_ =	shalt  }
0x83: {  	_ =	shalt  }
0x84: {  	_ =	shalt  }
0x85: {  	_ =	shalt  }
0x86: {  	_ =	shalt  }
0x87: {  	_ =	shalt  }
.Lfunc_end0:
.L_simem_size_0:
called_computation.1_lowered:
.L_overlay_start_0:
0x88: {  	s2 =	sld [smem:$0x3FD9]  }
0x89: {  	s3 =	sld [smem:$0x3FFE];
	_ =	sdelay $0x1  }
0x8a: {  	s1 =	srdreg.scid  }
0x8b: {  	s0 =	sand.u32 $0x1, s1  }
0x8c: {  	s16 =	sshll.u32 s0, $0xA;
	s2 =	sadd.s32 s3, s2  }
0x8d: {  	s2 =	sadd.s32 s2, s16  }
0x8e: {  	[smem:$0x3FBD] =	sst s2  }
0x8f: {  	_ = 	snop  }
0x90: {  	(tm) =	ssettm $0x1  }
0x91: {  	s17 =	sld [smem:$0x3FFB];
	_ =	sdelay $0x3  }
0x92: {  	_ =	strace s17  }
0x93: {  	s2 =	sld [smem:$0x3FFC];
	_ =	sdelay $0x3  }
0x94: {  	_ =	strace s2  }
0x95: {  	s2 =	sld [smem:$0x3FFD];
	_ =	sdelay $0x3  }
0x96: {  	_ =	strace s2  }
0x97: {  	_ =	strace $0x8FFFFFFF  }
0x98: {  	s18 =	sld [smem:$0x3FDB];
	_ =	sdelay $0x1  }
0x99: {  	s19 =	simm.s32 $_scs_section_size  }
0x9a: {  	s4 =	simm.s32 $_size__tile_overlayer_lowered;
	s5 =	simm.s32 $_tile_overlayer_lowered  }
0x9b: {  	s22 =	simm.s32 $0x1BFF;
	s21 =	sshll.u32 s5, $0x1;
	s2 =	sadd.s32 s19, s18  }
0x9c: {  	s6 =	simm.s32 $0x0;
	s20 =	sshll.u32 s4, $0x1;
	s4 =	sadd.s32 s21, s2  }
0x9d: {  	[timem:s6], [sflag:s22] =	dma.local [hbm:s4], s20  }
0x9e: {  	_ =	swait.ge [sflag:s22], s20  }
0x9f: {  	s3 =	ssub.s32 $0x0, s20;
	[sflag:s22] =	ssyncset.done $0x0  }
0xa0: {  	[sflag:s22] =	ssyncadd.s32 s3;
	_ =	sdelay $0x1  }
0xa1: {  	s23 =	simm.s32 $0x1B8B  }
0xa2: {  	_ =	swait.ge [sflag:s23], $0x1  }
0xa3: {  	[sflag:s23] =	ssyncset.done $0x0  }
0xa4: {  	s25 =	simm.s32 $0x1B8E;
	s24 =	sld [smem:$0x3FFE];
	[sflag:s23] =	ssyncadd.s32 $0xFFFFFFFF  }
0xa5: {  	s26 =	simm.s32 $execute0_lowered;
	[smem:$0x3FD2] =	sst s25  }
0xa6: {  	s4 =	sshll.u32 s26, $0x1;
	_ =	strace $0x80000049;
	[dreg:$0x1] =	wrdreg $0xFFFFFFFF  }
0xa7: {  	s28 =	simm.s32 $_size_execute0_lowered;
	s2 =	sadd.s32 s2, s4;
	[dreg:$0x0] =	wrdreg $0x0  }
0xa8: {  	s4 =	sshll.u32 s28, $0x1;
	[dreg:$0x2] =	wrdreg s2  }
0xa9: {  	[dreg:$0x3] =	wrdreg s4  }
0xaa: {  	[dreg:$0x4] =	wrdreg $0xC0  }
0xab: {  	_ =	task [dreg:s6], $0x5FFFF  }
0xac: {  	[dreg:$0x1] =	wrdreg $0xFFFFFFFF  }
0xad: {  	[dreg:$0x0] =	wrdreg $0x60  }
0xae: {  	[dreg:$0x2] =	wrdreg s24  }
0xaf: {  	[dreg:$0x3] =	wrdreg $0xC2000  }
0xb0: {  	[dreg:$0x4] =	wrdreg $0x9  }
0xb1: {  	_ =	task.clear_ibuf [dreg:s6], $0x5FFFF;
	_ =	strace $0x90000049  }
0xb2: {  	s29 =	simm.s32 $0x9;
	_ =	strace $0x8000004B  }
0xb3: {  	_ =	swait.ge [sflag:s29], $0x1  }
0xb4: {  	[sflag:s29] =	ssyncadd.s32 $0xFFFFFFFF  }
0xb5: {  	_ =	strace $0x9000004B  }
0xb6: {  	_ =	sfence  }
0xb7: {  	s30 =	sld [smem:$0x0];
	_ =	sdelay $0x2  }
0xb8: {  	s31 =	sshll.u32 s1, $0xD;
	s1 =	sshrl.u32 s1, $0x2  }
0xb9: {  	s3 =	sand.u32 $0x4000, s31;
	s1 =	sadd.s32 s1, s30  }
0xba: {  	s0 =	sor.u32 s3, s0;
	s1 =	sshll.u32 s1, $0x11  }
0xbb: {  	s0 =	sor.u32 s1, s0  }
0xbc: {  	s0 =	sadd.s32 $0x8F2B, s0  }
0xbd: {  	[sflag:s0] =	ssyncadd.remote.s32 $0x1  }
0xbe: {  	_ =	sfence.sel $0xFFFF  }
0xbf: {  	[dreg:$0x0] =	wrdreg $0xFFFFFFFF;
	(pc) =	sbr.abs _section_cstart, $3  }
0xc0: {  	[dreg:$0x1] =	wrdreg $0xFFFFFFFF  }
0xc1: {  	_ =	task.clear_ibuf [dreg:s6], $0x2FFFF;
	_ =	strace $0x9FFFFFFF  }
0xc2: {  	(tm) =	ssettm $0x7FFFFFFF  }
0xc3: {  	_ =	shalt  }
tec
execute0_lowered:
.L_overlay_start_1:
0x0: {  	(tag) =	ssettag $0x1  }
0x1: {  	s5 =	rddreg [dreg:$0x0]  }
0x2: {  	s2 =	rddreg [dreg:$0x1]  }
0x3: {  	s0 =	rddreg [dreg:$0x2];
	s3 =	simm.s32 $0x0;
	s1 =	stileid.u32  }
0x4: {  	s7 =	srdreg.scid;
	s18 =	simm.s32 $0x80;
	s19 =	simm.s32 $0x200  }
0x5: {  	s20 =	simm.s32 $0x1;
	s23 =	simm.s32 $0x0;
	s6 =	smul.u32 $0xA00, s1  }
0x6: {  	[smem:$0x7FF] =	sst s3;
	s4 =	sadd.s32 $0x16C00, s5;
	s8 =	smul.u32 $0x4F000, s1  }
0x7: {  	s10 =	sadd.s32 $0x3DE00, s5;
	s11 =	sand.u32 $0x1, s7;
	s9 =	smul.u32 $0x13800, s1  }
0x8: {  	s16 =	smul.u32 $0x4E000, s1;
	s21 =	sadd.s32 $0x124800, s2;
	p0 =	seq.s32 s1, $0xF  }
0x9: {  	_ =	strace $0x8000004A;
	s28 =	ssub.s32 $0x2, s11;
	s12 =	smul.u32 $0x138800, s11  }
0xa: {  	s17 =	smul.u32 $0x500, s11;
	s21 =	sshrl.u32 @p0 s21, $0x3;
	s13 =	sadd.s32 s6, s5  }
0xb: {  	s29 =	sshrl.u32 s8, $0x2;
	s30 =	sshrl.u32 s28, $0x1;
	s16 =	sshrl.u32 s16, $0x2  }
0xc: {  	s5 =	sadd.s32 s29, s2;
	s14 =	ssub.s32 s28, s30;
	s15 =	sadd.s32 s9, s12  }
0xd: {  	s12 =	sshrl.u32 s12, $0x3;
	s22 =	sadd.s32 s16, s2;
	s31 =	sadd.s32 s17, s13  }
0xe: {  	s16 =	simm.s32 $0x2;
	s17 =	simm.s32 $0x100;
	s6 =	sadd.s32 $0x4000, s5  }
0xf: {  	s7 =	sadd.s32 $0x8000, s5;
	s8 =	sadd.s32 $0xC000, s5;
	s9 =	sadd.s32 $0x10000, s5  }
0x10: {  	s15 =	sshrl.u32 s15, $0x3;
	s12 =	sadd.s32 s10, s12;
	s13 =	sadd.s32 $0xCC00, s31  }
0x11: {  	s22 =	sshrl.u32 @!p0 s22, $0x3;
	s10 =	sadd.s32 s10, s15;
	s11 =	sadd.s32 $0x24900, s12  }
0x12: {  	v0 =	vimm.f32 $0.0e+00;
	s12 =	smax.u32 s14, $0x1;
	s14 =	sadd.s32 $0x2C00, s31;
	s15 =	simm.s32 $0x8200  }
.LBB2_1:
0x13: {  	s24 =	sand.u32 $0xFE00, s3  }
0x14: {  	s25 =	sand.u32 $0x70, s3;
	s26 =	sshrl.u32 s24, $0x2  }
0x15: {  	s24 =	simm.s32 $0x40;
	s26 =	sor.u32 s25, s26;
	s25 =	simm.s32 $0x0  }
.LBB2_2:
0x16: {  	p1 =	sne.s32 s24, $0xFFC0  }
0x17: {  	[tilespmem:s26+$0x8200] =	vst v0;
	s25 =	sadd.s32 $0x10, s25;
	s26 =	smov.u32 s24;
	s24 =	sadd.s32 $0x40, s24  }
.Ltmp0:
0x18: {  	(pc) =	sbr.rel @p1 .LBB2_2-.Ltmp0, $4  }
0x19: {  	_ = 	snop  }
0x1a: {  	s26 =	sand.u32 $0xFE00, s26  }
0x1b: {  	s28 =	sand.u32 $0x70, s25;
	s26 =	sshrl.u32 s26, $0x2  }
0x1c: {  	s26 =	sor.u32 s28, s26  }
0x1d: {  	[tilespmem:s26+$0x8200] =	vst v0  }
0x1e: {  	[spmem:s5] =	stream.linear.scatter [tilespmem:s15], [sflag:$0x2], $0x4000, $0x38;
	[tilespmem:$0x1FE00] =	vst v63  }
0x1f: {  	_ =	swait.ge [sflag:s16], $0x4000  }
0x20: {  	[sflag:s16] =	ssyncset.done $0x0  }
0x21: {  	[sflag:s16] =	ssyncadd.s32 $0xFFFFC000  }
0x22: {  	[spmem:s6] =	stream.linear.scatter [tilespmem:s15], [sflag:$0x2], $0x4000, $0x38;
	[tilespmem:$0x1FE00] =	vst v63  }
0x23: {  	_ =	swait.ge [sflag:s16], $0x4000  }
0x24: {  	[sflag:s16] =	ssyncset.done $0x0  }
0x25: {  	[sflag:s16] =	ssyncadd.s32 $0xFFFFC000  }
0x26: {  	[spmem:s7] =	stream.linear.scatter [tilespmem:s15], [sflag:$0x2], $0x4000, $0x38;
	[tilespmem:$0x1FE00] =	vst v63  }
0x27: {  	_ =	swait.ge [sflag:s16], $0x4000  }
0x28: {  	[sflag:s16] =	ssyncset.done $0x0  }
0x29: {  	[sflag:s16] =	ssyncadd.s32 $0xFFFFC000  }
0x2a: {  	[spmem:s8] =	stream.linear.scatter [tilespmem:s15], [sflag:$0x2], $0x4000, $0x38;
	[tilespmem:$0x1FE00] =	vst v63  }
0x2b: {  	_ =	swait.ge [sflag:s16], $0x4000  }
0x2c: {  	[sflag:s16] =	ssyncset.done $0x0  }
0x2d: {  	[sflag:s16] =	ssyncadd.s32 $0xFFFFC000  }
0x2e: {  	[spmem:s9] =	stream.linear.scatter [tilespmem:s15], [sflag:$0x2], $0x3C00, $0x38;
	[tilespmem:$0x1FE00] =	vst v63  }
0x2f: {  	_ =	swait.ge [sflag:s16], $0x3C00  }
0x30: {  	[sflag:s16] =	ssyncset.done $0x0  }
0x31: {  	[sflag:s16] =	ssyncadd.s32 $0xFFFFC400  }
0x32: {  	s24 =	sadd.s32 $0x0, s14;
	[bflag:$0x0] =	sbarrier.arrive $0xFFFF  }
0x33: {  	[tilespmem:s3], [sflag:$0x2] =	stream.linear.gather [hbm4b:s24+s3], $0x80, $0x38;
	[tilespmem:$0x1FE00] =	vst v63  }
0x34: {  	_ =	swait.ge [sflag:s16], $0x80  }
0x35: {  	[sflag:s16] =	ssyncset.done $0x0  }
0x36: {  	s31 =	sadd.s32 $0x0, s13;
	[sflag:s16] =	ssyncadd.s32 $0xFFFFFF80  }
0x37: {  	[tilespmem:s17], [sflag:$0x2] =	stream.linear.gather [hbm4b:s31+s3], $0x80, $0x38;
	[tilespmem:$0x1FE00] =	vst v63  }
0x38: {  	_ =	swait.ge [sflag:s16], $0x80  }
0x39: {  	[sflag:s16] =	ssyncset.done $0x0  }
0x3a: {  	[sflag:s16] =	ssyncadd.s32 $0xFFFFFF80  }
0x3b: {  	[tilespmem:s19], [sflag:$0x1] =	stream.indirect.gather [hbm4b:s4+s18], $0x80, s3, s18, $0xb8;
	[tilespmem:$0x1FE00] =	vst v63  }
0x3c: {  	_ =	swait.ge [sflag:s20], $0x4000  }
0x3d: {  	[sflag:s20] =	ssyncset.done $0x0  }
0x3e: {  	[sflag:s20] =	ssyncadd.s32 $0xFFFFC000  }
0x3f: {  	[spmem:s2] =	stream.indirect.scatter.add.f32 [tilespmem:s19], [sflag:$0x2], $0x80, s17, s18, $0xb8;
	[tilespmem:$0x1FE00] =	vst v63  }
0x40: {  	_ =	swait.ge [sflag:s16], $0x4000  }
0x41: {  	s25 =	simm.s32 $0x20;
	s24 =	simm.s32 $0x10;
	[sflag:s16] =	ssyncset.done $0x0  }
.LBB2_4:
0x42: {  	s26 =	sadd.s32 s24, s14  }
0x43: {  	[sflag:s16] =	ssyncadd.s32 $0xFFFFC000;
	s28 =	smov.u32 s25;
	s29 =	sadd.s32 $0x10, s25  }
0x44: {  	[tilespmem:s3], [sflag:$0x2] =	stream.linear.gather [hbm4b:s26+s3], $0x80, $0x38;
	[tilespmem:$0x1FE00] =	vst v63  }
0x45: {  	p1 =	sne.s32 s25, $0x4F0;
	_ =	swait.ge [sflag:s16], $0x80  }
0x46: {  	[sflag:s16] =	ssyncset.done $0x0  }
0x47: {  	s25 =	sadd.s32 s24, s13;
	s24 =	smov.u32 s28;
	[sflag:s16] =	ssyncadd.s32 $0xFFFFFF80  }
0x48: {  	[tilespmem:s17], [sflag:$0x2] =	stream.linear.gather [hbm4b:s25+s3], $0x80, $0x38;
	[tilespmem:$0x1FE00] =	vst v63  }
0x49: {  	_ =	swait.ge [sflag:s16], $0x80  }
0x4a: {  	[sflag:s16] =	ssyncset.done $0x0  }
0x4b: {  	[sflag:s16] =	ssyncadd.s32 $0xFFFFFF80  }
0x4c: {  	[tilespmem:s19], [sflag:$0x1] =	stream.indirect.gather [hbm4b:s4+s18], $0x80, s3, s18, $0xb8;
	[tilespmem:$0x1FE00] =	vst v63  }
0x4d: {  	_ =	swait.ge [sflag:s20], $0x4000  }
.Ltmp1:
0x4e: {  	[sflag:s20] =	ssyncset.done $0x0;
	(pc) =	sbr.rel @p1 .LBB2_4-.Ltmp1, $4  }
0x4f: {  	[sflag:s20] =	ssyncadd.s32 $0xFFFFC000  }
0x50: {  	[spmem:s2] =	stream.indirect.scatter.add.f32 [tilespmem:s19], [sflag:$0x2], $0x80, s17, s18, $0xb8;
	[tilespmem:$0x1FE00] =	vst v63  }
0x51: {  	_ =	swait.ge [sflag:s16], $0x4000  }
0x52: {  	s25 =	smov.u32 s29;
	[sflag:s16] =	ssyncset.done $0x0  }
0x53: {  	s25 =	sadd.s32 s24, s14;
	[sflag:s16] =	ssyncadd.s32 $0xFFFFC000  }
0x54: {  	[tilespmem:s3], [sflag:$0x2] =	stream.linear.gather [hbm4b:s25+s3], $0x80, $0x38;
	[tilespmem:$0x1FE00] =	vst v63  }
0x55: {  	_ =	swait.ge [sflag:s16], $0x80  }
0x56: {  	[sflag:s16] =	ssyncset.done $0x0  }
0x57: {  	s31 =	sadd.s32 s24, s13;
	[sflag:s16] =	ssyncadd.s32 $0xFFFFFF80  }
0x58: {  	[tilespmem:s17], [sflag:$0x2] =	stream.linear.gather [hbm4b:s31+s3], $0x80, $0x38;
	[tilespmem:$0x1FE00] =	vst v63  }
0x59: {  	_ =	swait.ge [sflag:s16], $0x80  }
0x5a: {  	[sflag:s16] =	ssyncset.done $0x0  }
0x5b: {  	[sflag:s16] =	ssyncadd.s32 $0xFFFFFF80  }
0x5c: {  	[tilespmem:s19], [sflag:$0x1] =	stream.indirect.gather [hbm4b:s4+s18], $0x80, s3, s18, $0xb8;
	[tilespmem:$0x1FE00] =	vst v63  }
0x5d: {  	_ =	swait.ge [sflag:s20], $0x4000  }
0x5e: {  	[sflag:s20] =	ssyncset.done $0x0  }
0x5f: {  	[sflag:s20] =	ssyncadd.s32 $0xFFFFC000  }
0x60: {  	[spmem:s2] =	stream.indirect.scatter.add.f32 [tilespmem:s19], [sflag:$0x2], $0x80, s17, s18, $0xb8;
	[tilespmem:$0x1FE00] =	vst v63  }
0x61: {  	_ =	swait.ge [sflag:s16], $0x4000  }
0x62: {  	[sflag:s16] =	ssyncset.done $0x0  }
0x63: {  	[sflag:s16] =	ssyncadd.s32 $0xFFFFC000  }
0x64: {  	s24 =	simm.s32 @p0 $0x1FC2;
	[bflag:$0x0] =	sbarrier.arrive $0xFFFF  }
0x65: {  	[hbm:s11], [sflag:s24] =	dma.local @p0 [spmem:s21], $0x2800  }
0x66: {  	s24 =	simm.s32 @p0 $0x2  }
0x67: {  	_ =	swait.ge @p0 [sflag:s24], $0x2800  }
0x68: {  	s23 =	sadd.s32 $0x1, s23;
	s25 =	sshll.u32 @!p0 s1, $0x6;
	[sflag:s24] =	ssyncset.done @p0 $0x0  }
0x69: {  	p1 =	sne.s32 s23, s12;
	[sflag:s24] =	ssyncadd.s32 @p0 $0xFFFFD800;
	s24 =	sor.u32 @!p0 $0x1C02, s25  }
0x6a: {  	[hbm:s10], [sflag:s24] =	dma.local @!p0 [spmem:s22], $0x2700  }
.Ltmp2:
0x6b: {  	_ = 	snop;
	(pc) =	sbr.rel @p1 .LBB2_1-.Ltmp2, $4  }
0x6c: {  	s24 =	simm.s32 @!p0 $0x2  }
0x6d: {  	_ =	swait.ge @!p0 [sflag:s24], $0x2700  }
0x6e: {  	[sflag:s24] =	ssyncset.done @!p0 $0x0  }
0x6f: {  	[sflag:s24] =	ssyncadd.s32 @!p0 $0xFFFFD900  }
0x70: {  	_ =	sfence.sel $0x180000  }
0x71: {  	[bflag:$0x0] =	sbarrier.arrive $0xFFFF  }
0x72: {  	p0 =	sne.s32 s1, $0x0;
	_ =	strace $0x9000004A  }
0x73: {  	s0 =	sadd.s32 @!p0 $0x100000, s0;
	[bflag:$0x2] =	sbarrier.arrive $0xFFFF  }
0x74: {  	[sflag:s0] =	ssyncadd.tile.s32 @!p0 $0x1;
	_ =	shalt  }
.Lfunc_end2:
_tile_overlayer_lowered:
.L_overlay_start_2:
0x75: {  	(tag) =	ssettag $0x2  }
0x76: {  	s0 =	rddreg [dreg:$0x0];
	s2 =	stileid.u32  }
0x77: {  	s1 =	rddreg [dreg:$0x1];
	p0 =	sne.s32 s2, $0x0  }
0x78: {  	s3 =	rddreg [dreg:$0x2];
	[bflag:$0x3] =	sbarrier.arrive $0xFFFF;
	s2 =	simm.s32 @!p0 $0x1C02  }
0x79: {  	[timem:s3], [sflag:s2] =	dma.local @!p0 [hbm:s0], s1  }
0x7a: {  	s0 =	simm.s32 @!p0 $0x2  }
0x7b: {  	_ =	swait.ge @!p0 [sflag:s0], s1  }
0x7c: {  	s1 =	ssub.s32 @!p0 $0x0, s1;
	[sflag:s0] =	ssyncset.done @!p0 $0x0  }
0x7d: {  	[sflag:s0] =	ssyncadd.s32 @!p0 s1  }
0x7e: {  	[bflag:$0x3] =	sbarrier.arrive $0xFFFF  }
0x7f: {  	_ =	shalt  }

// kernel: kernel.15.cloned.1.call-start
scs
__scs_entry_jumppad:
0x0: {  	(pc) =	sbr.rel $0x88, $3  }
0x1: {  	(tag) =	ssettag $0x0;
	lr =	simm.s32 $0x1  }
0x2: {  	[smem:$0x3F96] =	sst lr;
	_ =	strace $0xD0000000  }
0x3: {  	_ = 	snop  }
0x4: {  	_ = 	snop  }
0x5: {  	_ = 	snop  }
0x6: {  	_ = 	snop  }
0x7: {  	_ = 	snop  }
__scs_overlays_trampoline_lowered:
0x8: {  	[smem:$0x3FA5] =	sst s0  }
0x9: {  	[smem:$0x3FA6] =	sst s1  }
0xa: {  	[smem:$0x3FA7] =	sst s2  }
0xb: {  	[smem:$0x3FA8] =	sst s3  }
0xc: {  	[smem:$0x3FA9] =	sst s4  }
0xd: {  	[smem:$0x3FAA] =	sst s5  }
0xe: {  	[smem:$0x3FAB] =	sst s6  }
0xf: {  	[smem:$0x3FAC] =	sst s7  }
0x10: {  	[smem:$0x3FAD] =	sst s8  }
0x11: {  	[smem:$0x3FAE] =	sst s9;
	s0 =	simm.s32 @!p0 $0x0  }
0x12: {  	s1 =	sld [smem:$0x3F94];
	s0 =	simm.s32 @p0 $0x1  }
0x13: {  	[smem:$0x3FAF] =	sst s0;
	s0 =	simm.s32 @!p1 $0x0  }
0x14: {  	s2 =	sld [smem:$0x3F93];
	s0 =	simm.s32 @p1 $0x1  }
0x15: {  	[smem:$0x3FB0] =	sst s0;
	s0 =	simm.s32 @!p2 $0x0  }
0x16: {  	s3 =	sld [smem:$0x3FDB];
	s0 =	simm.s32 @p2 $0x1  }
0x17: {  	s4 =	simm.s32 $0x1BF5;
	[smem:$0x3FB2] =	sst s0  }
0x18: {  	s0 =	sld [smem:$0x3F95];
	_ =	swait.ge [sflag:s4], $0x0  }
0x19: {  	s7 =	sld [smem:$0x3F96]  }
0x1a: {  	s8 =	sadd.s32 $0xFFFFE003, lr  }
0x1b: {  	s9 =	sadd.s32 $0xFFFFFEF7, lr;
	s5 =	simm.s32 $0xFFFFFFFF;
	p2 =	slt.u32 s8, $0xFFFFF086  }
0x1c: {  	p1 =	slt.u32 s9, $0xF7A;
	s5 =	simm.s32 @!p2 $0x0  }
0x1d: {  	s5 =	simm.s32 @p1 $0x1;
	p0 =	seq.s32 s7, s2  }
0x1e: {  	s7 =	smul.u32 @!p0 $0xF7A, s2;
	p2 =	seq.s32 @!p0 s5, $0x0  }
0x1f: {  	s9 =	smul.u32 $0xF7A, s1;
	s8 =	simm.s32 @!p0 $0x1BF5;
	p2 =	por !p2, p0  }
0x20: {  	[sflag:s8] =	ssyncset.s32 @!p0 $0xFFFFF086;
	s6 =	sadd.s32 @!p0 s3, s7;
	s7 =	simm.s32 @!p0 $0x108  }
0x21: {  	s3 =	sadd.s32 s3, s9;
	s6 =	sadd.s32 @!p0 $0x88, s6;
	s7 =	simm.s32 @p2 $0x1082  }
0x22: {  	[simem:s7], [sflag:s8] =	dma.local @!p0 [hbm:s6], $0xF7A  }
0x23: {  	s9 =	sor.u32 $0xD0000000, s2;
	s6 =	simm.s32 $0x108;
	_ =	swait.ge @!p0 [sflag:s8], $0x0  }
0x24: {  	s3 =	sadd.s32 $0x88, s3;
	s6 =	simm.s32 @!p1 $0x1082;
	[sflag:s4] =	ssyncset.s32 $0xFFFFF086  }
0x25: {  	[simem:s6], [sflag:s4] =	dma.local [hbm:s3], $0xF7A  }
0x26: {  	[smem:$0x3F96] =	sst s1;
	(tag) =	ssettag s2;
	_ =	strace s9  }
0x27: {  	s1 =	sld [smem:$0x3FA6]  }
0x28: {  	s2 =	sld [smem:$0x3FA7]  }
0x29: {  	s4 =	sld [smem:$0x3FA9]  }
0x2a: {  	p0 =	seq.s32 s5, $0x0;
	s5 =	sld [smem:$0x3FAA]  }
0x2b: {  	s6 =	sld [smem:$0x3FAB]  }
0x2c: {  	s7 =	sld [smem:$0x3FAC]  }
0x2d: {  	s3 =	simm.s32 $0x108;
	s8 =	sld [smem:$0x3FAD]  }
0x2e: {  	s3 =	simm.s32 @!p0 $0x1082;
	s9 =	sld [smem:$0x3FAE]  }
0x2f: {  	lr =	sadd.s32 s0, s3;
	s0 =	sld [smem:$0x3FA5]  }
0x30: {  	s3 =	sld [smem:$0x3FA8]  }
0x31: {  	[smem:$0x3FB1] =	sst s10  }
0x32: {  	s10 =	sld [smem:$0x3FAF];
	_ =	sdelay $0x3  }
0x33: {  	p0 =	seq.s32 s10, $0x1;
	s10 =	sld [smem:$0x3FB1];
	_ =	sdelay $0x3  }
0x34: {  	[smem:$0x3FB1] =	sst s10  }
0x35: {  	s10 =	sld [smem:$0x3FB0];
	_ =	sdelay $0x3  }
0x36: {  	p1 =	seq.s32 s10, $0x1;
	s10 =	sld [smem:$0x3FB1];
	_ =	sdelay $0x3  }
0x37: {  	[smem:$0x3FB1] =	sst s10  }
0x38: {  	s10 =	sld [smem:$0x3FB2]  }
0x39: {  	_ = 	snop;
	(pc) =	sbr.ind lr, $3  }
0x3a: {  	_ = 	snop  }
0x3b: {  	_ = 	snop  }
0x3c: {  	p2 =	seq.s32 s10, $0x1;
	s10 =	sld [smem:$0x3FB1]  }
0x3d: {  	_ =	shalt  }
0x3e: {  	_ =	shalt  }
0x3f: {  	_ =	shalt  }
0x40: {  	_ =	shalt  }
0x41: {  	_ =	shalt  }
0x42: {  	_ =	shalt  }
0x43: {  	_ =	shalt  }
0x44: {  	_ =	shalt  }
0x45: {  	_ =	shalt  }
0x46: {  	_ =	shalt  }
0x47: {  	_ =	shalt  }
0x48: {  	_ =	shalt  }
0x49: {  	_ =	shalt  }
0x4a: {  	_ =	shalt  }
0x4b: {  	_ =	shalt  }
0x4c: {  	_ =	shalt  }
0x4d: {  	_ =	shalt  }
0x4e: {  	_ =	shalt  }
0x4f: {  	_ =	shalt  }
0x50: {  	_ =	shalt  }
0x51: {  	_ =	shalt  }
0x52: {  	_ =	shalt  }
0x53: {  	_ =	shalt  }
0x54: {  	_ =	shalt  }
0x55: {  	_ =	shalt  }
0x56: {  	_ =	shalt  }
0x57: {  	_ =	shalt  }
0x58: {  	_ =	shalt  }
0x59: {  	_ =	shalt  }
0x5a: {  	_ =	shalt  }
0x5b: {  	_ =	shalt  }
0x5c: {  	_ =	shalt  }
0x5d: {  	_ =	shalt  }
0x5e: {  	_ =	shalt  }
0x5f: {  	_ =	shalt  }
0x60: {  	_ =	shalt  }
0x61: {  	_ =	shalt  }
0x62: {  	_ =	shalt  }
0x63: {  	_ =	shalt  }
0x64: {  	_ =	shalt  }
0x65: {  	_ =	shalt  }
0x66: {  	_ =	shalt  }
0x67: {  	_ =	shalt  }
0x68: {  	_ =	shalt  }
0x69: {  	_ =	shalt  }
0x6a: {  	_ =	shalt  }
0x6b: {  	_ =	shalt  }
0x6c: {  	_ =	shalt  }
0x6d: {  	_ =	shalt  }
0x6e: {  	_ =	shalt  }
0x6f: {  	_ =	shalt  }
0x70: {  	_ =	shalt  }
0x71: {  	_ =	shalt  }
0x72: {  	_ =	shalt  }
0x73: {  	_ =	shalt  }
0x74: {  	_ =	shalt  }
0x75: {  	_ =	shalt  }
0x76: {  	_ =	shalt  }
0x77: {  	_ =	shalt  }
0x78: {  	_ =	shalt  }
0x79: {  	_ =	shalt  }
0x7a: {  	_ =	shalt  }
0x7b: {  	_ =	shalt  }
0x7c: {  	_ =	shalt  }
0x7d: {  	_ =	shalt  }
0x7e: {  	_ =	shalt  }
0x7f: {  	_ =	shalt  }
0x80: {  	_ =	shalt  }
0x81: {  	_ =	shalt  }
0x82: {  	_ =	shalt  }
0x83: {  	_ =	shalt  }
0x84: {  	_ =	shalt  }
0x85: {  	_ =	shalt  }
0x86: {  	_ =	shalt  }
0x87: {  	_ =	shalt  }
.Lfunc_end0:
.L_simem_size_0:
called_computation.2_lowered:
.L_overlay_start_0:
0x88: {  	s2 =	sld [smem:$0x3FD9]  }
0x89: {  	s3 =	sld [smem:$0x3FFE];
	_ =	sdelay $0x1  }
0x8a: {  	s1 =	srdreg.scid  }
0x8b: {  	s0 =	sand.u32 $0x1, s1  }
0x8c: {  	s16 =	sshll.u32 s0, $0xA;
	s2 =	sadd.s32 s3, s2  }
0x8d: {  	s2 =	sadd.s32 s2, s16  }
0x8e: {  	[smem:$0x3FBD] =	sst s2  }
0x8f: {  	_ = 	snop  }
0x90: {  	(tm) =	ssettm $0x1  }
0x91: {  	s17 =	sld [smem:$0x3FFB];
	_ =	sdelay $0x3  }
0x92: {  	_ =	strace s17  }
0x93: {  	s2 =	sld [smem:$0x3FFC];
	_ =	sdelay $0x3  }
0x94: {  	_ =	strace s2  }
0x95: {  	s2 =	sld [smem:$0x3FFD];
	_ =	sdelay $0x3  }
0x96: {  	_ =	strace s2  }
0x97: {  	_ =	strace $0x8FFFFFFF  }
0x98: {  	s18 =	sld [smem:$0x3FDB];
	_ =	sdelay $0x1  }
0x99: {  	s19 =	simm.s32 $_scs_section_size  }
0x9a: {  	s4 =	simm.s32 $_size__tile_overlayer_lowered;
	s5 =	simm.s32 $_tile_overlayer_lowered  }
0x9b: {  	s22 =	simm.s32 $0x1BFF;
	s21 =	sshll.u32 s5, $0x1;
	s2 =	sadd.s32 s19, s18  }
0x9c: {  	s6 =	simm.s32 $0x0;
	s20 =	sshll.u32 s4, $0x1;
	s4 =	sadd.s32 s21, s2  }
0x9d: {  	[timem:s6], [sflag:s22] =	dma.local [hbm:s4], s20  }
0x9e: {  	_ =	swait.ge [sflag:s22], s20  }
0x9f: {  	s3 =	ssub.s32 $0x0, s20;
	[sflag:s22] =	ssyncset.done $0x0  }
0xa0: {  	[sflag:s22] =	ssyncadd.s32 s3;
	_ =	sdelay $0x1  }
0xa1: {  	s23 =	simm.s32 $0x1B8B  }
0xa2: {  	_ =	swait.ge [sflag:s23], $0x1  }
0xa3: {  	[sflag:s23] =	ssyncset.done $0x0  }
0xa4: {  	s25 =	simm.s32 $0x1B8E;
	s24 =	sld [smem:$0x3FFE];
	[sflag:s23] =	ssyncadd.s32 $0xFFFFFFFF  }
0xa5: {  	s26 =	simm.s32 $execute0_lowered;
	[smem:$0x3FD2] =	sst s25  }
0xa6: {  	s4 =	sshll.u32 s26, $0x1;
	_ =	strace $0x8000004C;
	[dreg:$0x1] =	wrdreg $0xFFFFFFFF  }
0xa7: {  	s28 =	simm.s32 $_size_execute0_lowered;
	s2 =	sadd.s32 s2, s4;
	[dreg:$0x0] =	wrdreg $0x0  }
0xa8: {  	s4 =	sshll.u32 s28, $0x1;
	[dreg:$0x2] =	wrdreg s2  }
0xa9: {  	[dreg:$0x3] =	wrdreg s4  }
0xaa: {  	[dreg:$0x4] =	wrdreg $0xC0  }
0xab: {  	_ =	task [dreg:s6], $0x5FFFF  }
0xac: {  	[dreg:$0x1] =	wrdreg $0xFFFFFFFF  }
0xad: {  	[dreg:$0x0] =	wrdreg $0x60  }
0xae: {  	[dreg:$0x2] =	wrdreg s24  }
0xaf: {  	[dreg:$0x3] =	wrdreg $0xC2000  }
0xb0: {  	[dreg:$0x4] =	wrdreg $0x9  }
0xb1: {  	_ =	task.clear_ibuf [dreg:s6], $0x5FFFF;
	_ =	strace $0x9000004C  }
0xb2: {  	s29 =	simm.s32 $0x9;
	_ =	strace $0x8000004E  }
0xb3: {  	_ =	swait.ge [sflag:s29], $0x1  }
0xb4: {  	[sflag:s29] =	ssyncadd.s32 $0xFFFFFFFF  }
0xb5: {  	_ =	strace $0x9000004E  }
0xb6: {  	_ =	sfence  }
0xb7: {  	s30 =	sld [smem:$0x0];
	_ =	sdelay $0x2  }
0xb8: {  	s31 =	sshll.u32 s1, $0xD;
	s1 =	sshrl.u32 s1, $0x2  }
0xb9: {  	s3 =	sand.u32 $0x4000, s31;
	s1 =	sadd.s32 s1, s30  }
0xba: {  	s0 =	sor.u32 s3, s0;
	s1 =	sshll.u32 s1, $0x11  }
0xbb: {  	s0 =	sor.u32 s1, s0  }
0xbc: {  	s0 =	sadd.s32 $0x8F2B, s0  }
0xbd: {  	[sflag:s0] =	ssyncadd.remote.s32 $0x1  }
0xbe: {  	_ =	sfence.sel $0xFFFF  }
0xbf: {  	[dreg:$0x0] =	wrdreg $0xFFFFFFFF;
	(pc) =	sbr.abs _section_cstart, $3  }
0xc0: {  	[dreg:$0x1] =	wrdreg $0xFFFFFFFF  }
0xc1: {  	_ =	task.clear_ibuf [dreg:s6], $0x2FFFF;
	_ =	strace $0x9FFFFFFF  }
0xc2: {  	(tm) =	ssettm $0x7FFFFFFF  }
0xc3: {  	_ =	shalt  }
tec
execute0_lowered:
.L_overlay_start_1:
0x0: {  	(tag) =	ssettag $0x1  }
0x1: {  	s5 =	rddreg [dreg:$0x0]  }
0x2: {  	s2 =	rddreg [dreg:$0x1]  }
0x3: {  	s0 =	rddreg [dreg:$0x2];
	s3 =	simm.s32 $0x0;
	s1 =	stileid.u32  }
0x4: {  	s7 =	srdreg.scid;
	s18 =	simm.s32 $0x80;
	s19 =	simm.s32 $0x200  }
0x5: {  	s20 =	simm.s32 $0x1;
	s23 =	simm.s32 $0x0;
	s6 =	smul.u32 $0xA00, s1  }
0x6: {  	[smem:$0x7FF] =	sst s3;
	s4 =	sadd.s32 $0x16C00, s5;
	s8 =	smul.u32 $0x4F000, s1  }
0x7: {  	s10 =	sadd.s32 $0x3DE00, s5;
	s11 =	sand.u32 $0x1, s7;
	s9 =	smul.u32 $0x13800, s1  }
0x8: {  	s16 =	smul.u32 $0x4E000, s1;
	s21 =	sadd.s32 $0x124800, s2;
	p0 =	seq.s32 s1, $0xF  }
0x9: {  	_ =	strace $0x8000004D;
	s28 =	ssub.s32 $0x2, s11;
	s12 =	smul.u32 $0x138800, s11  }
0xa: {  	s17 =	smul.u32 $0x500, s11;
	s21 =	sshrl.u32 @p0 s21, $0x3;
	s13 =	sadd.s32 s6, s5  }
0xb: {  	s29 =	sshrl.u32 s8, $0x2;
	s30 =	sshrl.u32 s28, $0x1;
	s16 =	sshrl.u32 s16, $0x2  }
0xc: {  	s5 =	sadd.s32 s29, s2;
	s14 =	ssub.s32 s28, s30;
	s15 =	sadd.s32 s9, s12  }
0xd: {  	s12 =	sshrl.u32 s12, $0x3;
	s22 =	sadd.s32 s16, s2;
	s31 =	sadd.s32 s17, s13  }
0xe: {  	s16 =	simm.s32 $0x2;
	s17 =	simm.s32 $0x100;
	s6 =	sadd.s32 $0x4000, s5  }
0xf: {  	s7 =	sadd.s32 $0x8000, s5;
	s8 =	sadd.s32 $0xC000, s5;
	s9 =	sadd.s32 $0x10000, s5  }
0x10: {  	s15 =	sshrl.u32 s15, $0x3;
	s12 =	sadd.s32 s10, s12;
	s13 =	sadd.s32 $0xCC00, s31  }
0x11: {  	s22 =	sshrl.u32 @!p0 s22, $0x3;
	s10 =	sadd.s32 s10, s15;
	s11 =	sadd.s32 $0x24900, s12  }
0x12: {  	v0 =	vimm.f32 $0.0e+00;
	s12 =	smax.u32 s14, $0x1;
	s14 =	sadd.s32 $0x2C00, s31;
	s15 =	simm.s32 $0x8200  }
.LBB2_1:
0x13: {  	s24 =	sand.u32 $0xFE00, s3  }
0x14: {  	s25 =	sand.u32 $0x70, s3;
	s26 =	sshrl.u32 s24, $0x2  }
0x15: {  	s24 =	simm.s32 $0x40;
	s26 =	sor.u32 s25, s26;
	s25 =	simm.s32 $0x0  }
.LBB2_2:
0x16: {  	p1 =	sne.s32 s24, $0xFFC0  }
0x17: {  	[tilespmem:s26+$0x8200] =	vst v0;
	s25 =	sadd.s32 $0x10, s25;
	s26 =	smov.u32 s24;
	s24 =	sadd.s32 $0x40, s24  }
.Ltmp0:
0x18: {  	(pc) =	sbr.rel @p1 .LBB2_2-.Ltmp0, $4  }
0x19: {  	_ = 	snop  }
0x1a: {  	s26 =	sand.u32 $0xFE00, s26  }
0x1b: {  	s28 =	sand.u32 $0x70, s25;
	s26 =	sshrl.u32 s26, $0x2  }
0x1c: {  	s26 =	sor.u32 s28, s26  }
0x1d: {  	[tilespmem:s26+$0x8200] =	vst v0  }
0x1e: {  	[spmem:s5] =	stream.linear.scatter [tilespmem:s15], [sflag:$0x2], $0x4000, $0x38;
	[tilespmem:$0x1FE00] =	vst v63  }
0x1f: {  	_ =	swait.ge [sflag:s16], $0x4000  }
0x20: {  	[sflag:s16] =	ssyncset.done $0x0  }
0x21: {  	[sflag:s16] =	ssyncadd.s32 $0xFFFFC000  }
0x22: {  	[spmem:s6] =	stream.linear.scatter [tilespmem:s15], [sflag:$0x2], $0x4000, $0x38;
	[tilespmem:$0x1FE00] =	vst v63  }
0x23: {  	_ =	swait.ge [sflag:s16], $0x4000  }
0x24: {  	[sflag:s16] =	ssyncset.done $0x0  }
0x25: {  	[sflag:s16] =	ssyncadd.s32 $0xFFFFC000  }
0x26: {  	[spmem:s7] =	stream.linear.scatter [tilespmem:s15], [sflag:$0x2], $0x4000, $0x38;
	[tilespmem:$0x1FE00] =	vst v63  }
0x27: {  	_ =	swait.ge [sflag:s16], $0x4000  }
0x28: {  	[sflag:s16] =	ssyncset.done $0x0  }
0x29: {  	[sflag:s16] =	ssyncadd.s32 $0xFFFFC000  }
0x2a: {  	[spmem:s8] =	stream.linear.scatter [tilespmem:s15], [sflag:$0x2], $0x4000, $0x38;
	[tilespmem:$0x1FE00] =	vst v63  }
0x2b: {  	_ =	swait.ge [sflag:s16], $0x4000  }
0x2c: {  	[sflag:s16] =	ssyncset.done $0x0  }
0x2d: {  	[sflag:s16] =	ssyncadd.s32 $0xFFFFC000  }
0x2e: {  	[spmem:s9] =	stream.linear.scatter [tilespmem:s15], [sflag:$0x2], $0x3C00, $0x38;
	[tilespmem:$0x1FE00] =	vst v63  }
0x2f: {  	_ =	swait.ge [sflag:s16], $0x3C00  }
0x30: {  	[sflag:s16] =	ssyncset.done $0x0  }
0x31: {  	[sflag:s16] =	ssyncadd.s32 $0xFFFFC400  }
0x32: {  	s24 =	sadd.s32 $0x0, s14;
	[bflag:$0x0] =	sbarrier.arrive $0xFFFF  }
0x33: {  	[tilespmem:s3], [sflag:$0x2] =	stream.linear.gather [hbm4b:s24+s3], $0x80, $0x38;
	[tilespmem:$0x1FE00] =	vst v63  }
0x34: {  	_ =	swait.ge [sflag:s16], $0x80  }
0x35: {  	[sflag:s16] =	ssyncset.done $0x0  }
0x36: {  	s31 =	sadd.s32 $0x0, s13;
	[sflag:s16] =	ssyncadd.s32 $0xFFFFFF80  }
0x37: {  	[tilespmem:s17], [sflag:$0x2] =	stream.linear.gather [hbm4b:s31+s3], $0x80, $0x38;
	[tilespmem:$0x1FE00] =	vst v63  }
0x38: {  	_ =	swait.ge [sflag:s16], $0x80  }
0x39: {  	[sflag:s16] =	ssyncset.done $0x0  }
0x3a: {  	[sflag:s16] =	ssyncadd.s32 $0xFFFFFF80  }
0x3b: {  	[tilespmem:s19], [sflag:$0x1] =	stream.indirect.gather [hbm4b:s4+s18], $0x80, s3, s18, $0xb8;
	[tilespmem:$0x1FE00] =	vst v63  }
0x3c: {  	_ =	swait.ge [sflag:s20], $0x4000  }
0x3d: {  	[sflag:s20] =	ssyncset.done $0x0  }
0x3e: {  	[sflag:s20] =	ssyncadd.s32 $0xFFFFC000  }
0x3f: {  	[spmem:s2] =	stream.indirect.scatter.add.f32 [tilespmem:s19], [sflag:$0x2], $0x80, s17, s18, $0xb8;
	[tilespmem:$0x1FE00] =	vst v63  }
0x40: {  	_ =	swait.ge [sflag:s16], $0x4000  }
0x41: {  	s25 =	simm.s32 $0x20;
	s24 =	simm.s32 $0x10;
	[sflag:s16] =	ssyncset.done $0x0  }
.LBB2_4:
0x42: {  	s26 =	sadd.s32 s24, s14  }
0x43: {  	[sflag:s16] =	ssyncadd.s32 $0xFFFFC000;
	s28 =	smov.u32 s25;
	s29 =	sadd.s32 $0x10, s25  }
0x44: {  	[tilespmem:s3], [sflag:$0x2] =	stream.linear.gather [hbm4b:s26+s3], $0x80, $0x38;
	[tilespmem:$0x1FE00] =	vst v63  }
0x45: {  	p1 =	sne.s32 s25, $0x4F0;
	_ =	swait.ge [sflag:s16], $0x80  }
0x46: {  	[sflag:s16] =	ssyncset.done $0x0  }
0x47: {  	s25 =	sadd.s32 s24, s13;
	s24 =	smov.u32 s28;
	[sflag:s16] =	ssyncadd.s32 $0xFFFFFF80  }
0x48: {  	[tilespmem:s17], [sflag:$0x2] =	stream.linear.gather [hbm4b:s25+s3], $0x80, $0x38;
	[tilespmem:$0x1FE00] =	vst v63  }
0x49: {  	_ =	swait.ge [sflag:s16], $0x80  }
0x4a: {  	[sflag:s16] =	ssyncset.done $0x0  }
0x4b: {  	[sflag:s16] =	ssyncadd.s32 $0xFFFFFF80  }
0x4c: {  	[tilespmem:s19], [sflag:$0x1] =	stream.indirect.gather [hbm4b:s4+s18], $0x80, s3, s18, $0xb8;
	[tilespmem:$0x1FE00] =	vst v63  }
0x4d: {  	_ =	swait.ge [sflag:s20], $0x4000  }
.Ltmp1:
0x4e: {  	[sflag:s20] =	ssyncset.done $0x0;
	(pc) =	sbr.rel @p1 .LBB2_4-.Ltmp1, $4  }
0x4f: {  	[sflag:s20] =	ssyncadd.s32 $0xFFFFC000  }
0x50: {  	[spmem:s2] =	stream.indirect.scatter.add.f32 [tilespmem:s19], [sflag:$0x2], $0x80, s17, s18, $0xb8;
	[tilespmem:$0x1FE00] =	vst v63  }
0x51: {  	_ =	swait.ge [sflag:s16], $0x4000  }
0x52: {  	s25 =	smov.u32 s29;
	[sflag:s16] =	ssyncset.done $0x0  }
0x53: {  	s25 =	sadd.s32 s24, s14;
	[sflag:s16] =	ssyncadd.s32 $0xFFFFC000  }
0x54: {  	[tilespmem:s3], [sflag:$0x2] =	stream.linear.gather [hbm4b:s25+s3], $0x80, $0x38;
	[tilespmem:$0x1FE00] =	vst v63  }
0x55: {  	_ =	swait.ge [sflag:s16], $0x80  }
0x56: {  	[sflag:s16] =	ssyncset.done $0x0  }
0x57: {  	s31 =	sadd.s32 s24, s13;
	[sflag:s16] =	ssyncadd.s32 $0xFFFFFF80  }
0x58: {  	[tilespmem:s17], [sflag:$0x2] =	stream.linear.gather [hbm4b:s31+s3], $0x80, $0x38;
	[tilespmem:$0x1FE00] =	vst v63  }
0x59: {  	_ =	swait.ge [sflag:s16], $0x80  }
0x5a: {  	[sflag:s16] =	ssyncset.done $0x0  }
0x5b: {  	[sflag:s16] =	ssyncadd.s32 $0xFFFFFF80  }
0x5c: {  	[tilespmem:s19], [sflag:$0x1] =	stream.indirect.gather [hbm4b:s4+s18], $0x80, s3, s18, $0xb8;
	[tilespmem:$0x1FE00] =	vst v63  }
0x5d: {  	_ =	swait.ge [sflag:s20], $0x4000  }
0x5e: {  	[sflag:s20] =	ssyncset.done $0x0  }
0x5f: {  	[sflag:s20] =	ssyncadd.s32 $0xFFFFC000  }
0x60: {  	[spmem:s2] =	stream.indirect.scatter.add.f32 [tilespmem:s19], [sflag:$0x2], $0x80, s17, s18, $0xb8;
	[tilespmem:$0x1FE00] =	vst v63  }
0x61: {  	_ =	swait.ge [sflag:s16], $0x4000  }
0x62: {  	[sflag:s16] =	ssyncset.done $0x0  }
0x63: {  	[sflag:s16] =	ssyncadd.s32 $0xFFFFC000  }
0x64: {  	s24 =	simm.s32 @p0 $0x1FC2;
	[bflag:$0x0] =	sbarrier.arrive $0xFFFF  }
0x65: {  	[hbm:s11], [sflag:s24] =	dma.local @p0 [spmem:s21], $0x2800  }
0x66: {  	s24 =	simm.s32 @p0 $0x2  }
0x67: {  	_ =	swait.ge @p0 [sflag:s24], $0x2800  }
0x68: {  	s23 =	sadd.s32 $0x1, s23;
	s25 =	sshll.u32 @!p0 s1, $0x6;
	[sflag:s24] =	ssyncset.done @p0 $0x0  }
0x69: {  	p1 =	sne.s32 s23, s12;
	[sflag:s24] =	ssyncadd.s32 @p0 $0xFFFFD800;
	s24 =	sor.u32 @!p0 $0x1C02, s25  }
0x6a: {  	[hbm:s10], [sflag:s24] =	dma.local @!p0 [spmem:s22], $0x2700  }
.Ltmp2:
0x6b: {  	_ = 	snop;
	(pc) =	sbr.rel @p1 .LBB2_1-.Ltmp2, $4  }
0x6c: {  	s24 =	simm.s32 @!p0 $0x2  }
0x6d: {  	_ =	swait.ge @!p0 [sflag:s24], $0x2700  }
0x6e: {  	[sflag:s24] =	ssyncset.done @!p0 $0x0  }
0x6f: {  	[sflag:s24] =	ssyncadd.s32 @!p0 $0xFFFFD900  }
0x70: {  	_ =	sfence.sel $0x180000  }
0x71: {  	[bflag:$0x0] =	sbarrier.arrive $0xFFFF  }
0x72: {  	p0 =	sne.s32 s1, $0x0;
	_ =	strace $0x9000004D  }
0x73: {  	s0 =	sadd.s32 @!p0 $0x100000, s0;
	[bflag:$0x2] =	sbarrier.arrive $0xFFFF  }
0x74: {  	[sflag:s0] =	ssyncadd.tile.s32 @!p0 $0x1;
	_ =	shalt  }
.Lfunc_end2:
_tile_overlayer_lowered:
.L_overlay_start_2:
0x75: {  	(tag) =	ssettag $0x2  }
0x76: {  	s0 =	rddreg [dreg:$0x0];
	s2 =	stileid.u32  }
0x77: {  	s1 =	rddreg [dreg:$0x1];
	p0 =	sne.s32 s2, $0x0  }
0x78: {  	s3 =	rddreg [dreg:$0x2];
	[bflag:$0x3] =	sbarrier.arrive $0xFFFF;
	s2 =	simm.s32 @!p0 $0x1C02  }
0x79: {  	[timem:s3], [sflag:s2] =	dma.local @!p0 [hbm:s0], s1  }
0x7a: {  	s0 =	simm.s32 @!p0 $0x2  }
0x7b: {  	_ =	swait.ge @!p0 [sflag:s0], s1  }
0x7c: {  	s1 =	ssub.s32 @!p0 $0x0, s1;
	[sflag:s0] =	ssyncset.done @!p0 $0x0  }
0x7d: {  	[sflag:s0] =	ssyncadd.s32 @!p0 s1  }
0x7e: {  	[bflag:$0x3] =	sbarrier.arrive $0xFFFF  }
0x7f: {  	_ =	shalt  }

// kernel: kernel.9.cloned.1.call-start
scs
__scs_entry_jumppad:
0x0: {  	(pc) =	sbr.rel $0x88, $3  }
0x1: {  	(tag) =	ssettag $0x0;
	lr =	simm.s32 $0x1  }
0x2: {  	[smem:$0x3F96] =	sst lr;
	_ =	strace $0xD0000000  }
0x3: {  	_ = 	snop  }
0x4: {  	_ = 	snop  }
0x5: {  	_ = 	snop  }
0x6: {  	_ = 	snop  }
0x7: {  	_ = 	snop  }
__scs_overlays_trampoline_lowered:
0x8: {  	[smem:$0x3FA5] =	sst s0  }
0x9: {  	[smem:$0x3FA6] =	sst s1  }
0xa: {  	[smem:$0x3FA7] =	sst s2  }
0xb: {  	[smem:$0x3FA8] =	sst s3  }
0xc: {  	[smem:$0x3FA9] =	sst s4  }
0xd: {  	[smem:$0x3FAA] =	sst s5  }
0xe: {  	[smem:$0x3FAB] =	sst s6  }
0xf: {  	[smem:$0x3FAC] =	sst s7  }
0x10: {  	[smem:$0x3FAD] =	sst s8  }
0x11: {  	[smem:$0x3FAE] =	sst s9;
	s0 =	simm.s32 @!p0 $0x0  }
0x12: {  	s1 =	sld [smem:$0x3F94];
	s0 =	simm.s32 @p0 $0x1  }
0x13: {  	[smem:$0x3FAF] =	sst s0;
	s0 =	simm.s32 @!p1 $0x0  }
0x14: {  	s2 =	sld [smem:$0x3F93];
	s0 =	simm.s32 @p1 $0x1  }
0x15: {  	[smem:$0x3FB0] =	sst s0;
	s0 =	simm.s32 @!p2 $0x0  }
0x16: {  	s3 =	sld [smem:$0x3FDB];
	s0 =	simm.s32 @p2 $0x1  }
0x17: {  	s4 =	simm.s32 $0x1BF5;
	[smem:$0x3FB2] =	sst s0  }
0x18: {  	s0 =	sld [smem:$0x3F95];
	_ =	swait.ge [sflag:s4], $0x0  }
0x19: {  	s7 =	sld [smem:$0x3F96]  }
0x1a: {  	s8 =	sadd.s32 $0xFFFFE003, lr  }
0x1b: {  	s9 =	sadd.s32 $0xFFFFFEF7, lr;
	s5 =	simm.s32 $0xFFFFFFFF;
	p2 =	slt.u32 s8, $0xFFFFF086  }
0x1c: {  	p1 =	slt.u32 s9, $0xF7A;
	s5 =	simm.s32 @!p2 $0x0  }
0x1d: {  	s5 =	simm.s32 @p1 $0x1;
	p0 =	seq.s32 s7, s2  }
0x1e: {  	s7 =	smul.u32 @!p0 $0xF7A, s2;
	p2 =	seq.s32 @!p0 s5, $0x0  }
0x1f: {  	s9 =	smul.u32 $0xF7A, s1;
	s8 =	simm.s32 @!p0 $0x1BF5;
	p2 =	por !p2, p0  }
0x20: {  	[sflag:s8] =	ssyncset.s32 @!p0 $0xFFFFF086;
	s6 =	sadd.s32 @!p0 s3, s7;
	s7 =	simm.s32 @!p0 $0x108  }
0x21: {  	s3 =	sadd.s32 s3, s9;
	s6 =	sadd.s32 @!p0 $0x88, s6;
	s7 =	simm.s32 @p2 $0x1082  }
0x22: {  	[simem:s7], [sflag:s8] =	dma.local @!p0 [hbm:s6], $0xF7A  }
0x23: {  	s9 =	sor.u32 $0xD0000000, s2;
	s6 =	simm.s32 $0x108;
	_ =	swait.ge @!p0 [sflag:s8], $0x0  }
0x24: {  	s3 =	sadd.s32 $0x88, s3;
	s6 =	simm.s32 @!p1 $0x1082;
	[sflag:s4] =	ssyncset.s32 $0xFFFFF086  }
0x25: {  	[simem:s6], [sflag:s4] =	dma.local [hbm:s3], $0xF7A  }
0x26: {  	[smem:$0x3F96] =	sst s1;
	(tag) =	ssettag s2;
	_ =	strace s9  }
0x27: {  	s1 =	sld [smem:$0x3FA6]  }
0x28: {  	s2 =	sld [smem:$0x3FA7]  }
0x29: {  	s4 =	sld [smem:$0x3FA9]  }
0x2a: {  	p0 =	seq.s32 s5, $0x0;
	s5 =	sld [smem:$0x3FAA]  }
0x2b: {  	s6 =	sld [smem:$0x3FAB]  }
0x2c: {  	s7 =	sld [smem:$0x3FAC]  }
0x2d: {  	s3 =	simm.s32 $0x108;
	s8 =	sld [smem:$0x3FAD]  }
0x2e: {  	s3 =	simm.s32 @!p0 $0x1082;
	s9 =	sld [smem:$0x3FAE]  }
0x2f: {  	lr =	sadd.s32 s0, s3;
	s0 =	sld [smem:$0x3FA5]  }
0x30: {  	s3 =	sld [smem:$0x3FA8]  }
0x31: {  	[smem:$0x3FB1] =	sst s10  }
0x32: {  	s10 =	sld [smem:$0x3FAF];
	_ =	sdelay $0x3  }
0x33: {  	p0 =	seq.s32 s10, $0x1;
	s10 =	sld [smem:$0x3FB1];
	_ =	sdelay $0x3  }
0x34: {  	[smem:$0x3FB1] =	sst s10  }
0x35: {  	s10 =	sld [smem:$0x3FB0];
	_ =	sdelay $0x3  }
0x36: {  	p1 =	seq.s32 s10, $0x1;
	s10 =	sld [smem:$0x3FB1];
	_ =	sdelay $0x3  }
0x37: {  	[smem:$0x3FB1] =	sst s10  }
0x38: {  	s10 =	sld [smem:$0x3FB2]  }
0x39: {  	_ = 	snop;
	(pc) =	sbr.ind lr, $3  }
0x3a: {  	_ = 	snop  }
0x3b: {  	_ = 	snop  }
0x3c: {  	p2 =	seq.s32 s10, $0x1;
	s10 =	sld [smem:$0x3FB1]  }
0x3d: {  	_ =	shalt  }
0x3e: {  	_ =	shalt  }
0x3f: {  	_ =	shalt  }
0x40: {  	_ =	shalt  }
0x41: {  	_ =	shalt  }
0x42: {  	_ =	shalt  }
0x43: {  	_ =	shalt  }
0x44: {  	_ =	shalt  }
0x45: {  	_ =	shalt  }
0x46: {  	_ =	shalt  }
0x47: {  	_ =	shalt  }
0x48: {  	_ =	shalt  }
0x49: {  	_ =	shalt  }
0x4a: {  	_ =	shalt  }
0x4b: {  	_ =	shalt  }
0x4c: {  	_ =	shalt  }
0x4d: {  	_ =	shalt  }
0x4e: {  	_ =	shalt  }
0x4f: {  	_ =	shalt  }
0x50: {  	_ =	shalt  }
0x51: {  	_ =	shalt  }
0x52: {  	_ =	shalt  }
0x53: {  	_ =	shalt  }
0x54: {  	_ =	shalt  }
0x55: {  	_ =	shalt  }
0x56: {  	_ =	shalt  }
0x57: {  	_ =	shalt  }
0x58: {  	_ =	shalt  }
0x59: {  	_ =	shalt  }
0x5a: {  	_ =	shalt  }
0x5b: {  	_ =	shalt  }
0x5c: {  	_ =	shalt  }
0x5d: {  	_ =	shalt  }
0x5e: {  	_ =	shalt  }
0x5f: {  	_ =	shalt  }
0x60: {  	_ =	shalt  }
0x61: {  	_ =	shalt  }
0x62: {  	_ =	shalt  }
0x63: {  	_ =	shalt  }
0x64: {  	_ =	shalt  }
0x65: {  	_ =	shalt  }
0x66: {  	_ =	shalt  }
0x67: {  	_ =	shalt  }
0x68: {  	_ =	shalt  }
0x69: {  	_ =	shalt  }
0x6a: {  	_ =	shalt  }
0x6b: {  	_ =	shalt  }
0x6c: {  	_ =	shalt  }
0x6d: {  	_ =	shalt  }
0x6e: {  	_ =	shalt  }
0x6f: {  	_ =	shalt  }
0x70: {  	_ =	shalt  }
0x71: {  	_ =	shalt  }
0x72: {  	_ =	shalt  }
0x73: {  	_ =	shalt  }
0x74: {  	_ =	shalt  }
0x75: {  	_ =	shalt  }
0x76: {  	_ =	shalt  }
0x77: {  	_ =	shalt  }
0x78: {  	_ =	shalt  }
0x79: {  	_ =	shalt  }
0x7a: {  	_ =	shalt  }
0x7b: {  	_ =	shalt  }
0x7c: {  	_ =	shalt  }
0x7d: {  	_ =	shalt  }
0x7e: {  	_ =	shalt  }
0x7f: {  	_ =	shalt  }
0x80: {  	_ =	shalt  }
0x81: {  	_ =	shalt  }
0x82: {  	_ =	shalt  }
0x83: {  	_ =	shalt  }
0x84: {  	_ =	shalt  }
0x85: {  	_ =	shalt  }
0x86: {  	_ =	shalt  }
0x87: {  	_ =	shalt  }
.Lfunc_end0:
.L_simem_size_0:
called_computation_lowered:
.L_overlay_start_0:
0x88: {  	s2 =	sld [smem:$0x3FD9]  }
0x89: {  	s3 =	sld [smem:$0x3FFE];
	_ =	sdelay $0x1  }
0x8a: {  	s1 =	srdreg.scid  }
0x8b: {  	s0 =	sand.u32 $0x1, s1  }
0x8c: {  	s17 =	sshll.u32 s0, $0xA;
	s2 =	sadd.s32 s3, s2  }
0x8d: {  	s2 =	sadd.s32 s2, s17  }
0x8e: {  	[smem:$0x3FBD] =	sst s2  }
0x8f: {  	_ = 	snop  }
0x90: {  	s2 =	sld [smem:$0x3FC9];
	(tm) =	ssettm $0x1  }
0x91: {  	s18 =	sld [smem:$0x3FFB];
	_ =	sdelay $0x3  }
0x92: {  	_ =	strace s18  }
0x93: {  	s3 =	sld [smem:$0x3FFC];
	_ =	sdelay $0x3  }
0x94: {  	_ =	strace s3  }
0x95: {  	s3 =	sld [smem:$0x3FFD];
	_ =	sdelay $0x3  }
0x96: {  	_ =	strace s3  }
0x97: {  	_ =	strace $0x8FFFFFFF  }
0x98: {  	s19 =	sld [smem:$0x3FDB];
	_ =	sdelay $0x1  }
0x99: {  	s4 =	simm.s32 $_scs_section_size  }
0x9a: {  	s5 =	simm.s32 $_size__tile_overlayer_lowered;
	s6 =	simm.s32 $_tile_overlayer_lowered  }
0x9b: {  	s22 =	simm.s32 $0x1BFF;
	s21 =	sshll.u32 s6, $0x1;
	s3 =	sadd.s32 s4, s19  }
0x9c: {  	s7 =	simm.s32 $0x0;
	s20 =	sshll.u32 s5, $0x1;
	s5 =	sadd.s32 s21, s3  }
0x9d: {  	[timem:s7], [sflag:s22] =	dma.local [hbm:s5], s20  }
0x9e: {  	_ =	swait.ge [sflag:s22], s20  }
0x9f: {  	s4 =	ssub.s32 $0x0, s20;
	[sflag:s22] =	ssyncset.done $0x0  }
0xa0: {  	[sflag:s22] =	ssyncadd.s32 s4;
	_ =	sdelay $0x1  }
0xa1: {  	s23 =	simm.s32 $0x1B8B  }
0xa2: {  	_ =	swait.ge [sflag:s23], $0x1  }
0xa3: {  	[sflag:s23] =	ssyncset.done $0x0  }
0xa4: {  	s25 =	simm.s32 $0x1B8E;
	s24 =	sld [smem:$0x3FFE];
	[sflag:s23] =	ssyncadd.s32 $0xFFFFFFFF  }
0xa5: {  	s26 =	simm.s32 $execute0_lowered;
	[smem:$0x3FD2] =	sst s25  }
0xa6: {  	s5 =	sshll.u32 s26, $0x1;
	_ =	strace $0x80000046;
	[dreg:$0x1] =	wrdreg $0xFFFFFFFF  }
0xa7: {  	s28 =	simm.s32 $_size_execute0_lowered;
	s3 =	sadd.s32 s3, s5;
	[dreg:$0x0] =	wrdreg $0x0  }
0xa8: {  	s5 =	sshll.u32 s28, $0x1;
	[dreg:$0x2] =	wrdreg s3  }
0xa9: {  	[dreg:$0x3] =	wrdreg s5  }
0xaa: {  	[dreg:$0x4] =	wrdreg $0xC0  }
0xab: {  	_ =	task [dreg:s7], $0x5FFFF  }
0xac: {  	[dreg:$0x1] =	wrdreg $0xFFFFFFFF  }
0xad: {  	[dreg:$0x0] =	wrdreg $0x60  }
0xae: {  	[dreg:$0x2] =	wrdreg s2  }
0xaf: {  	[dreg:$0x3] =	wrdreg s24  }
0xb0: {  	[dreg:$0x4] =	wrdreg $0xC2000  }
0xb1: {  	[dreg:$0x5] =	wrdreg $0x9  }
0xb2: {  	_ =	task.clear_ibuf [dreg:s7], $0x6FFFF;
	_ =	strace $0x90000046  }
0xb3: {  	s29 =	simm.s32 $0x9;
	_ =	strace $0x80000048  }
0xb4: {  	_ =	swait.ge [sflag:s29], $0x1  }
0xb5: {  	[sflag:s29] =	ssyncadd.s32 $0xFFFFFFFF  }
0xb6: {  	_ =	strace $0x90000048  }
0xb7: {  	_ =	sfence  }
0xb8: {  	s30 =	sld [smem:$0x0];
	_ =	sdelay $0x2  }
0xb9: {  	s31 =	sshll.u32 s1, $0xD;
	s1 =	sshrl.u32 s1, $0x2  }
0xba: {  	s3 =	sand.u32 $0x4000, s31;
	s1 =	sadd.s32 s1, s30  }
0xbb: {  	s0 =	sor.u32 s3, s0;
	s1 =	sshll.u32 s1, $0x11  }
0xbc: {  	s0 =	sor.u32 s1, s0  }
0xbd: {  	s0 =	sadd.s32 $0x8F2B, s0  }
0xbe: {  	[sflag:s0] =	ssyncadd.remote.s32 $0x1  }
0xbf: {  	_ =	sfence.sel $0xFFFF  }
0xc0: {  	[dreg:$0x0] =	wrdreg $0xFFFFFFFF;
	(pc) =	sbr.abs _section_cstart, $3  }
0xc1: {  	[dreg:$0x1] =	wrdreg $0xFFFFFFFF  }
0xc2: {  	_ =	task.clear_ibuf [dreg:s7], $0x2FFFF;
	_ =	strace $0x9FFFFFFF  }
0xc3: {  	(tm) =	ssettm $0x7FFFFFFF  }
tec
execute0_lowered:
.L_overlay_start_1:
0x0: {  	(tag) =	ssettag $0x1  }
0x1: {  	s1 =	rddreg [dreg:$0x0]  }
0x2: {  	s5 =	rddreg [dreg:$0x1]  }
0x3: {  	s3 =	rddreg [dreg:$0x2]  }
0x4: {  	s0 =	rddreg [dreg:$0x3];
	s4 =	simm.s32 $0x0  }
0x5: {  	s2 =	stileid.u32;
	s7 =	srdreg.scid;
	s18 =	simm.s32 $0x80  }
0x6: {  	s19 =	simm.s32 $0x200;
	s20 =	simm.s32 $0x1;
	s6 =	smul.u32 $0xA00, s2  }
0x7: {  	s23 =	simm.s32 $0x0;
	[smem:$0x7FF] =	sst s4;
	s8 =	smul.u32 $0x4F000, s2  }
0x8: {  	s10 =	sadd.s32 $0x16C00, s5;
	s11 =	sand.u32 $0x1, s7;
	s9 =	smul.u32 $0x13800, s2  }
0x9: {  	s16 =	smul.u32 $0x4E000, s2;
	s21 =	sadd.s32 $0x124800, s3;
	p0 =	seq.s32 s2, $0xF  }
0xa: {  	_ =	strace $0x80000047;
	s28 =	ssub.s32 $0x2, s11;
	s12 =	smul.u32 $0x138800, s11  }
0xb: {  	s17 =	smul.u32 $0x500, s11;
	s21 =	sshrl.u32 @p0 s21, $0x3;
	s13 =	sadd.s32 s6, s5  }
0xc: {  	s29 =	sshrl.u32 s8, $0x2;
	s30 =	sshrl.u32 s28, $0x1;
	s16 =	sshrl.u32 s16, $0x2  }
0xd: {  	s5 =	sadd.s32 s29, s3;
	s14 =	ssub.s32 s28, s30;
	s15 =	sadd.s32 s9, s12  }
0xe: {  	s12 =	sshrl.u32 s12, $0x3;
	s22 =	sadd.s32 s16, s3;
	s31 =	sadd.s32 s17, s13  }
0xf: {  	s16 =	simm.s32 $0x2;
	s17 =	simm.s32 $0x100;
	s6 =	sadd.s32 $0x4000, s5  }
0x10: {  	s7 =	sadd.s32 $0x8000, s5;
	s8 =	sadd.s32 $0xC000, s5;
	s9 =	sadd.s32 $0x10000, s5  }
0x11: {  	s15 =	sshrl.u32 s15, $0x3;
	s12 =	sadd.s32 s10, s12;
	s13 =	sadd.s32 $0xCC00, s31  }
0x12: {  	s22 =	sshrl.u32 @!p0 s22, $0x3;
	s10 =	sadd.s32 s10, s15;
	s11 =	sadd.s32 $0x24900, s12  }
0x13: {  	v0 =	vimm.f32 $0.0e+00;
	s12 =	smax.u32 s14, $0x1;
	s14 =	sadd.s32 $0x2C00, s31;
	s15 =	simm.s32 $0x8200  }
.LBB2_1:
0x14: {  	s24 =	sand.u32 $0xFE00, s4  }
0x15: {  	s25 =	sand.u32 $0x70, s4;
	s26 =	sshrl.u32 s24, $0x2  }
0x16: {  	s24 =	simm.s32 $0x40;
	s26 =	sor.u32 s25, s26;
	s25 =	simm.s32 $0x0  }
.LBB2_2:
0x17: {  	p1 =	sne.s32 s24, $0xFFC0  }
0x18: {  	[tilespmem:s26+$0x8200] =	vst v0;
	s25 =	sadd.s32 $0x10, s25;
	s26 =	smov.u32 s24;
	s24 =	sadd.s32 $0x40, s24  }
.Ltmp0:
0x19: {  	(pc) =	sbr.rel @p1 .LBB2_2-.Ltmp0, $4  }
0x1a: {  	_ = 	snop  }
0x1b: {  	s26 =	sand.u32 $0xFE00, s26  }
0x1c: {  	s28 =	sand.u32 $0x70, s25;
	s26 =	sshrl.u32 s26, $0x2  }
0x1d: {  	s26 =	sor.u32 s28, s26  }
0x1e: {  	[tilespmem:s26+$0x8200] =	vst v0  }
0x1f: {  	[spmem:s5] =	stream.linear.scatter [tilespmem:s15], [sflag:$0x2], $0x4000, $0x38;
	[tilespmem:$0x1FE00] =	vst v63  }
0x20: {  	_ =	swait.ge [sflag:s16], $0x4000  }
0x21: {  	[sflag:s16] =	ssyncset.done $0x0  }
0x22: {  	[sflag:s16] =	ssyncadd.s32 $0xFFFFC000  }
0x23: {  	[spmem:s6] =	stream.linear.scatter [tilespmem:s15], [sflag:$0x2], $0x4000, $0x38;
	[tilespmem:$0x1FE00] =	vst v63  }
0x24: {  	_ =	swait.ge [sflag:s16], $0x4000  }
0x25: {  	[sflag:s16] =	ssyncset.done $0x0  }
0x26: {  	[sflag:s16] =	ssyncadd.s32 $0xFFFFC000  }
0x27: {  	[spmem:s7] =	stream.linear.scatter [tilespmem:s15], [sflag:$0x2], $0x4000, $0x38;
	[tilespmem:$0x1FE00] =	vst v63  }
0x28: {  	_ =	swait.ge [sflag:s16], $0x4000  }
0x29: {  	[sflag:s16] =	ssyncset.done $0x0  }
0x2a: {  	[sflag:s16] =	ssyncadd.s32 $0xFFFFC000  }
0x2b: {  	[spmem:s8] =	stream.linear.scatter [tilespmem:s15], [sflag:$0x2], $0x4000, $0x38;
	[tilespmem:$0x1FE00] =	vst v63  }
0x2c: {  	_ =	swait.ge [sflag:s16], $0x4000  }
0x2d: {  	[sflag:s16] =	ssyncset.done $0x0  }
0x2e: {  	[sflag:s16] =	ssyncadd.s32 $0xFFFFC000  }
0x2f: {  	[spmem:s9] =	stream.linear.scatter [tilespmem:s15], [sflag:$0x2], $0x3C00, $0x38;
	[tilespmem:$0x1FE00] =	vst v63  }
0x30: {  	_ =	swait.ge [sflag:s16], $0x3C00  }
0x31: {  	[sflag:s16] =	ssyncset.done $0x0  }
0x32: {  	[sflag:s16] =	ssyncadd.s32 $0xFFFFC400  }
0x33: {  	s24 =	sadd.s32 $0x0, s14;
	[bflag:$0x0] =	sbarrier.arrive $0xFFFF  }
0x34: {  	[tilespmem:s4], [sflag:$0x2] =	stream.linear.gather [hbm4b:s24+s4], $0x80, $0x38;
	[tilespmem:$0x1FE00] =	vst v63  }
0x35: {  	_ =	swait.ge [sflag:s16], $0x80  }
0x36: {  	[sflag:s16] =	ssyncset.done $0x0  }
0x37: {  	s31 =	sadd.s32 $0x0, s13;
	[sflag:s16] =	ssyncadd.s32 $0xFFFFFF80  }
0x38: {  	[tilespmem:s17], [sflag:$0x2] =	stream.linear.gather [hbm4b:s31+s4], $0x80, $0x38;
	[tilespmem:$0x1FE00] =	vst v63  }
0x39: {  	_ =	swait.ge [sflag:s16], $0x80  }
0x3a: {  	[sflag:s16] =	ssyncset.done $0x0  }
0x3b: {  	[sflag:s16] =	ssyncadd.s32 $0xFFFFFF80  }
0x3c: {  	[tilespmem:s19], [sflag:$0x1] =	stream.indirect.gather [hbm4b:s1+s18], $0x80, s4, s18, $0xb8;
	[tilespmem:$0x1FE00] =	vst v63  }
0x3d: {  	_ =	swait.ge [sflag:s20], $0x4000  }
0x3e: {  	[sflag:s20] =	ssyncset.done $0x0  }
0x3f: {  	[sflag:s20] =	ssyncadd.s32 $0xFFFFC000  }
0x40: {  	[spmem:s3] =	stream.indirect.scatter.add.f32 [tilespmem:s19], [sflag:$0x2], $0x80, s17, s18, $0xb8;
	[tilespmem:$0x1FE00] =	vst v63  }
0x41: {  	_ =	swait.ge [sflag:s16], $0x4000  }
0x42: {  	s25 =	simm.s32 $0x20;
	s24 =	simm.s32 $0x10;
	[sflag:s16] =	ssyncset.done $0x0  }
.LBB2_4:
0x43: {  	s26 =	sadd.s32 s24, s14  }
0x44: {  	[sflag:s16] =	ssyncadd.s32 $0xFFFFC000;
	s28 =	smov.u32 s25;
	s29 =	sadd.s32 $0x10, s25  }
0x45: {  	[tilespmem:s4], [sflag:$0x2] =	stream.linear.gather [hbm4b:s26+s4], $0x80, $0x38;
	[tilespmem:$0x1FE00] =	vst v63  }
0x46: {  	p1 =	sne.s32 s25, $0x4F0;
	_ =	swait.ge [sflag:s16], $0x80  }
0x47: {  	[sflag:s16] =	ssyncset.done $0x0  }
0x48: {  	s25 =	sadd.s32 s24, s13;
	s24 =	smov.u32 s28;
	[sflag:s16] =	ssyncadd.s32 $0xFFFFFF80  }
0x49: {  	[tilespmem:s17], [sflag:$0x2] =	stream.linear.gather [hbm4b:s25+s4], $0x80, $0x38;
	[tilespmem:$0x1FE00] =	vst v63  }
0x4a: {  	_ =	swait.ge [sflag:s16], $0x80  }
0x4b: {  	[sflag:s16] =	ssyncset.done $0x0  }
0x4c: {  	[sflag:s16] =	ssyncadd.s32 $0xFFFFFF80  }
0x4d: {  	[tilespmem:s19], [sflag:$0x1] =	stream.indirect.gather [hbm4b:s1+s18], $0x80, s4, s18, $0xb8;
	[tilespmem:$0x1FE00] =	vst v63  }
0x4e: {  	_ =	swait.ge [sflag:s20], $0x4000  }
.Ltmp1:
0x4f: {  	[sflag:s20] =	ssyncset.done $0x0;
	(pc) =	sbr.rel @p1 .LBB2_4-.Ltmp1, $4  }
0x50: {  	[sflag:s20] =	ssyncadd.s32 $0xFFFFC000  }
0x51: {  	[spmem:s3] =	stream.indirect.scatter.add.f32 [tilespmem:s19], [sflag:$0x2], $0x80, s17, s18, $0xb8;
	[tilespmem:$0x1FE00] =	vst v63  }
0x52: {  	_ =	swait.ge [sflag:s16], $0x4000  }
0x53: {  	s25 =	smov.u32 s29;
	[sflag:s16] =	ssyncset.done $0x0  }
0x54: {  	s25 =	sadd.s32 s24, s14;
	[sflag:s16] =	ssyncadd.s32 $0xFFFFC000  }
0x55: {  	[tilespmem:s4], [sflag:$0x2] =	stream.linear.gather [hbm4b:s25+s4], $0x80, $0x38;
	[tilespmem:$0x1FE00] =	vst v63  }
0x56: {  	_ =	swait.ge [sflag:s16], $0x80  }
0x57: {  	[sflag:s16] =	ssyncset.done $0x0  }
0x58: {  	s31 =	sadd.s32 s24, s13;
	[sflag:s16] =	ssyncadd.s32 $0xFFFFFF80  }
0x59: {  	[tilespmem:s17], [sflag:$0x2] =	stream.linear.gather [hbm4b:s31+s4], $0x80, $0x38;
	[tilespmem:$0x1FE00] =	vst v63  }
0x5a: {  	_ =	swait.ge [sflag:s16], $0x80  }
0x5b: {  	[sflag:s16] =	ssyncset.done $0x0  }
0x5c: {  	[sflag:s16] =	ssyncadd.s32 $0xFFFFFF80  }
0x5d: {  	[tilespmem:s19], [sflag:$0x1] =	stream.indirect.gather [hbm4b:s1+s18], $0x80, s4, s18, $0xb8;
	[tilespmem:$0x1FE00] =	vst v63  }
0x5e: {  	_ =	swait.ge [sflag:s20], $0x4000  }
0x5f: {  	[sflag:s20] =	ssyncset.done $0x0  }
0x60: {  	[sflag:s20] =	ssyncadd.s32 $0xFFFFC000  }
0x61: {  	[spmem:s3] =	stream.indirect.scatter.add.f32 [tilespmem:s19], [sflag:$0x2], $0x80, s17, s18, $0xb8;
	[tilespmem:$0x1FE00] =	vst v63  }
0x62: {  	_ =	swait.ge [sflag:s16], $0x4000  }
0x63: {  	[sflag:s16] =	ssyncset.done $0x0  }
0x64: {  	[sflag:s16] =	ssyncadd.s32 $0xFFFFC000  }
0x65: {  	s24 =	simm.s32 @p0 $0x1FC2;
	[bflag:$0x0] =	sbarrier.arrive $0xFFFF  }
0x66: {  	[hbm:s11], [sflag:s24] =	dma.local @p0 [spmem:s21], $0x2800  }
0x67: {  	s24 =	simm.s32 @p0 $0x2  }
0x68: {  	_ =	swait.ge @p0 [sflag:s24], $0x2800  }
0x69: {  	s23 =	sadd.s32 $0x1, s23;
	s25 =	sshll.u32 @!p0 s2, $0x6;
	[sflag:s24] =	ssyncset.done @p0 $0x0  }
0x6a: {  	p1 =	sne.s32 s23, s12;
	[sflag:s24] =	ssyncadd.s32 @p0 $0xFFFFD800;
	s24 =	sor.u32 @!p0 $0x1C02, s25  }
0x6b: {  	[hbm:s10], [sflag:s24] =	dma.local @!p0 [spmem:s22], $0x2700  }
.Ltmp2:
0x6c: {  	_ = 	snop;
	(pc) =	sbr.rel @p1 .LBB2_1-.Ltmp2, $4  }
0x6d: {  	s24 =	simm.s32 @!p0 $0x2  }
0x6e: {  	_ =	swait.ge @!p0 [sflag:s24], $0x2700  }
0x6f: {  	[sflag:s24] =	ssyncset.done @!p0 $0x0  }
0x70: {  	[sflag:s24] =	ssyncadd.s32 @!p0 $0xFFFFD900  }
0x71: {  	_ =	sfence.sel $0x180000  }
0x72: {  	[bflag:$0x0] =	sbarrier.arrive $0xFFFF  }
0x73: {  	p0 =	sne.s32 s2, $0x0;
	_ =	strace $0x90000047  }
0x74: {  	s0 =	sadd.s32 @!p0 $0x100000, s0;
	[bflag:$0x2] =	sbarrier.arrive $0xFFFF  }
0x75: {  	[sflag:s0] =	ssyncadd.tile.s32 @!p0 $0x1;
	_ =	shalt  }
.Lfunc_end2:
_tile_overlayer_lowered:
.L_overlay_start_2:
0x76: {  	(tag) =	ssettag $0x2  }
0x77: {  	s0 =	rddreg [dreg:$0x0];
	s2 =	stileid.u32  }
0x78: {  	s1 =	rddreg [dreg:$0x1];
	p0 =	sne.s32 s2, $0x0  }
0x79: {  	s3 =	rddreg [dreg:$0x2];
	[bflag:$0x3] =	sbarrier.arrive $0xFFFF;
	s2 =	simm.s32 @!p0 $0x1C02  }
0x7a: {  	[timem:s3], [sflag:s2] =	dma.local @!p0 [hbm:s0], s1  }
0x7b: {  	s0 =	simm.s32 @!p0 $0x2  }
0x7c: {  	_ =	swait.ge @!p0 [sflag:s0], s1  }
0x7d: {  	s1 =	ssub.s32 @!p0 $0x0, s1;
	[sflag:s0] =	ssyncset.done @!p0 $0x0  }
0x7e: {  	[sflag:s0] =	ssyncadd.s32 @!p0 s1  }
0x7f: {  	[bflag:$0x3] =	sbarrier.arrive $0xFFFF  }
0x80: {  	_ =	shalt  }

</sc_bundles>
